<compile_context>
chip_gen: v7x
topology: tpu7x:2x2x1
jax: 0.10.2.dev20260603
libtpu: 0.0.44.dev20260713+nightly
codegen_flags: <defaults>
</compile_context>

<pallas_src>
import functools
import math

import jax
import jax.numpy as jnp
from jax import lax
from jax.experimental import pallas as pl
from jax.experimental.pallas import tpu as pltpu
from jax.experimental.pallas import tpu_sc as plsc

_N = 16384
_SIZE = 1000
_SMOOTH = 0.1
_CONF = 1.0 - _SMOOTH
_S = _SMOOTH / (_SIZE - 2)
_K = (_SIZE - 2) * _S * math.log(_S) + _CONF * math.log(_CONF)

_INFO = plsc.get_sparse_core_info()
_NC, _NS, _L = _INFO.num_cores, _INFO.num_subcores, _INFO.num_lanes
_NW = _NC * _NS

_C_TC = 808
_M = _SIZE - _C_TC
_SPB = 1024
_GRID = _N // _SPB

_SCHUNK = 4096
_CHUNKS = (_M // 8) * (_N // _SCHUNK)
_MAXK = -(-_CHUNKS // _NW)


def _tc_body(y_ref, tgt_ref, out_ref):
    i = pl.program_id(0)

    @pl.when(i == 0)
    def _init():
        out_ref[...] = jnp.zeros((1, 1), jnp.float32)

    y = y_ref[...]
    tgt = tgt_ref[...]
    valid = (tgt != 0)
    colsum = jnp.sum(y, axis=0, keepdims=True)
    x0 = y[0:1, :]
    classes = jax.lax.broadcasted_iota(jnp.int32, y.shape, 0)
    pick = jnp.sum(jnp.where(classes == tgt, y, 0.0), axis=0, keepdims=True)
    per_col = _K - _S * colsum + _S * x0 - (_CONF - _S) * pick
    out_ref[...] += jnp.sum(jnp.where(valid, per_col, 0.0)).reshape(1, 1)


@functools.partial(
    pl.kernel,
    mesh=plsc.VectorSubcoreMesh(core_axis_name="c", subcore_axis_name="s"),
    out_type=jax.ShapeDtypeStruct((_NW * _L,), jnp.float32),
    scratch_types=[
        pltpu.VMEM((_N,), jnp.int32),
        pltpu.VMEM((8, _SCHUNK), jnp.float32),
        pltpu.VMEM((8, _SCHUNK), jnp.float32),
        pltpu.VMEM((_L,), jnp.float32),
        pltpu.VMEM((_L,), jnp.float32),
        pltpu.VMEM((_L,), jnp.float32),
        pltpu.SemaphoreType.DMA,
        pltpu.SemaphoreType.DMA,
    ],
    compiler_params=pltpu.CompilerParams(
        use_tc_tiling_on_sc=True, needs_layout_passes=False),
)
def _sc_loss(y_hbm, tgt_hbm, out_hbm, tgt_v, buf0, buf1,
             acc_sum_r, acc_pick_r, res_v, sem0, sem1):
    wid = lax.axis_index("s") * _NC + lax.axis_index("c")
    pltpu.sync_copy(tgt_hbm.at[pl.ds(0, _N)], tgt_v)
    iota16 = lax.iota(jnp.int32, _L)
    zf = jnp.zeros((_L,), jnp.float32)
    acc_sum_r[...] = zf
    acc_pick_r[...] = zf

    def chunk_coords(cid):
        cb = cid // (_N // _SCHUNK)
        sq = lax.rem(cid, _N // _SCHUNK)
        return _C_TC + cb * 8, sq * _SCHUNK

    def start_dma(cid, buf, sem):
        c0, s0 = chunk_coords(cid)
        pltpu.async_copy(y_hbm.at[pl.ds(c0, 8), pl.ds(s0, _SCHUNK)], buf, sem)

    def compute_chunk(cid, buf, sem):
        pltpu.make_async_copy(
            y_hbm.at[pl.ds(0, 8), pl.ds(0, _SCHUNK)], buf, sem).wait()
        c0, s0 = chunk_coords(cid)

        def j_body(j, accs):
            a_sum, a_pick = accs
            sbase = j * _L
            tgt16 = tgt_v[pl.ds(s0 + sbase, _L)]
            valid = tgt16 != 0
            for r in range(8):
                v = buf[r, pl.ds(sbase, _L)]
                a_sum = a_sum + jnp.where(valid, v, zf)
            rel = tgt16 - c0
            inr = jnp.logical_and(rel >= 0, rel < 8)
            relc = jnp.where(inr, rel, jnp.zeros((_L,), jnp.int32))
            pv = plsc.load_gather(buf, [relc, sbase + iota16])
            a_pick = a_pick + jnp.where(inr, pv, zf)
            return (a_sum, a_pick)

        a_sum, a_pick = lax.fori_loop(
            0, _SCHUNK // _L, j_body, (acc_sum_r[...], acc_pick_r[...]))
        acc_sum_r[...] = a_sum
        acc_pick_r[...] = a_pick

    @pl.when(wid < _CHUNKS)
    def _prime():
        start_dma(wid, buf0, sem0)

    def k_body(k, carry):
        cid = wid + k * _NW
        nxt = cid + _NW
        parity = lax.rem(k, 2)

        @pl.when(jnp.logical_and(nxt < _CHUNKS, lax.rem(k + 1, 2) == 1))
        def _s1():
            start_dma(nxt, buf1, sem1)

        @pl.when(jnp.logical_and(nxt < _CHUNKS, lax.rem(k + 1, 2) == 0))
        def _s0():
            start_dma(nxt, buf0, sem0)

        @pl.when(jnp.logical_and(cid < _CHUNKS, parity == 0))
        def _c0():
            compute_chunk(cid, buf0, sem0)

        @pl.when(jnp.logical_and(cid < _CHUNKS, parity == 1))
        def _c1():
            compute_chunk(cid, buf1, sem1)

        return carry

    lax.fori_loop(0, _MAXK, k_body, 0)

    res_v[...] = -_S * acc_sum_r[...] - (_CONF - _S) * acc_pick_r[...]
    pltpu.sync_copy(res_v, out_hbm.at[pl.ds(wid * _L, _L)])


def kernel(x, target):
    y = x.T
    tgt32 = target.astype(jnp.int32)
    sc_parts = _sc_loss(y, tgt32)
    out = pl.pallas_call(
        _tc_body,
        grid=(_GRID,),
        in_specs=[
            pl.BlockSpec((_C_TC, _SPB), lambda i: (0, i)),
            pl.BlockSpec((1, _SPB), lambda i: (0, i)),
        ],
        out_specs=pl.BlockSpec((1, 1), lambda i: (0, 0)),
        out_shape=jax.ShapeDtypeStruct((1, 1), jnp.float32),
        compiler_params=pltpu.CompilerParams(
            dimension_semantics=("arbitrary",),
        ),
    )(y, tgt32.reshape(1, _N))
    return out[0, 0] + jnp.sum(sc_parts)

# --- scband reference (transcript-rebuilt; emitter-appended) ---
"""Pipeline reference for scband-label-smoothing-64682207477866 (READ-ONLY COPY).

The authoritative reference and input builder live on the scoring server;
editing this copy changes nothing except your own understanding.
"""

import jax, jax.numpy as jnp
import numpy as np

N = 16384
SIZE = 1000
PADDING_IDX = 0
SMOOTHING = 0.1
CONFIDENCE = 1.0 - SMOOTHING


def setup_inputs(seed: int = 0) -> dict:
    key = jax.random.key(seed)
    k1, k2 = jax.random.split(key)
    # x plays the role of log-probabilities [N, SIZE]
    x = jax.random.normal(k1, (N, SIZE), dtype=jnp.float32)
    target = jax.random.randint(k2, (N,), 0, SIZE, dtype=jnp.int64)
    return {"x": x, "target": target}


def reference(x, target):
    assert x.shape[1] == SIZE
    n, size = x.shape
    # true_dist filled with smoothing mass
    true_dist = jnp.full((n, size), SMOOTHING / (size - 2), dtype=x.dtype)
    # scatter confidence at target class (scatter-overwrite along dim 1)
    true_dist = true_dist.at[jnp.arange(n), target].set(CONFIDENCE)
    # zero the padding class column
    true_dist = true_dist.at[:, PADDING_IDX].set(0.0)
    # zero entire rows where target == padding_idx (index_fill_)
    pad_mask = (target == PADDING_IDX)
    true_dist = jnp.where(pad_mask[:, None], 0.0, true_dist)
    # KLDivLoss(size_average=False): sum( t*log(t) - t*x ), with 0*log(0)=0
    loss = jnp.sum(jax.scipy.special.xlogy(true_dist, true_dist) - true_dist * x)
    return loss

if __name__ == "__main__":
    import jax
    _d = setup_inputs()
    print(jax.jit(kernel)(*tuple(_d.values())))

</pallas_src>

<mosaic_0001>
#map = affine_map<(d0, d1) -> (0, 0)>
#map1 = affine_map<(d0, d1) -> (0)>
module attributes {stable_mosaic.version = 14 : i64} {
  func.func @_sc_loss(%arg0: i32, %arg1: i32, %arg2: memref<1000x16384xf32, #tpu.memory_space<hbm>>, %arg3: memref<16384xi32, #tpu.memory_space<hbm>>, %arg4: memref<512xf32, #tpu.memory_space<hbm>>, %arg5: memref<16384xi32, #tpu.memory_space<vmem>>, %arg6: memref<8x4096xf32, #tpu.memory_space<vmem>>, %arg7: memref<8x4096xf32, #tpu.memory_space<vmem>>, %arg8: memref<16xf32, #tpu.memory_space<vmem>>, %arg9: memref<16xf32, #tpu.memory_space<vmem>>, %arg10: memref<16xf32, #tpu.memory_space<vmem>>, %arg11: memref<!tpu.dma_semaphore, #tpu.memory_space<semaphore_mem>>, %arg12: memref<!tpu.dma_semaphore, #tpu.memory_space<semaphore_mem>>) attributes {dimension_semantics = [#tpu.dimension_semantics<core_parallel>, #tpu.dimension_semantics<subcore_parallel>], iteration_bounds = array<i64: 2, 16>, scalar_prefetch = 0 : i64, scratch_operands = 8 : i64, tpu.core_type = #tpu.core_type<sc_vector_subcore>, window_params = [{transform_indices = #map}, {transform_indices = #map1}, {transform_indices = #map1}]} {
    %mul3A = arith.constant 2 : i32
    %mul3A_0 = arith.muli %arg1, %mul3A : i32
    %add3A = arith.addi %mul3A_0, %arg0 : i32
    "tpu.region"() ({
      %run_scoped3A = tpu.sem_alloc : memref<!tpu.dma_semaphore, #tpu.memory_space<semaphore_mem>>
      %dma_start3A = arith.constant 0 : i32
      %dma_start3A_25 = tpu.memref_slice %arg3[%dma_start3A] : memref<16384xi32, #tpu.memory_space<hbm>> -> memref<16384xi32, #tpu.memory_space<hbm>>
      %dma_start3A_26 = arith.constant 0 : i32
      %dma_start3A_27 = tpu.memref_slice %arg3[%dma_start3A_26] : memref<16384xi32, #tpu.memory_space<hbm>> -> memref<16384xi32, #tpu.memory_space<hbm>>
      tpu.enqueue_dma source(%dma_start3A_27 : memref<16384xi32, #tpu.memory_space<hbm>>) target(%arg5 : memref<16384xi32, #tpu.memory_space<vmem>>) target_semaphore(%run_scoped3A : memref<!tpu.dma_semaphore, #tpu.memory_space<semaphore_mem>>)
      %dma_wait3A = arith.constant 0 : i32
      %dma_wait3A_28 = tpu.memref_slice %arg3[%dma_wait3A] : memref<16384xi32, #tpu.memory_space<hbm>> -> memref<16384xi32, #tpu.memory_space<hbm>>
      %dma_wait3A_29 = arith.constant 0 : i32
      %dma_wait3A_30 = tpu.memref_slice %arg3[%dma_wait3A_29] : memref<16384xi32, #tpu.memory_space<hbm>> -> memref<16384xi32, #tpu.memory_space<hbm>>
      tpu.wait_dma2 semaphore(%run_scoped3A : memref<!tpu.dma_semaphore, #tpu.memory_space<semaphore_mem>>) src(%dma_wait3A_30 : memref<16384xi32, #tpu.memory_space<hbm>>) dst(%arg5 : memref<16384xi32, #tpu.memory_space<vmem>>)
      tpu.yield
    }) : () -> ()
    %iota3A = tpu.iota {dimensions = array<i32: 0>} : vector<16xi32>
    %broadcast_in_dim3A = arith.constant 0.000000e+00 : f32
    %broadcast_in_dim3A_1 = vector.broadcast %broadcast_in_dim3A : f32 to vector<16xf32>
    %swap3A = arith.constant 0 : index
    %swap3A_2 = tpu.vector_load %arg8[%swap3A] {strides = array<i32>} : memref<16xf32, #tpu.memory_space<vmem>>, vector<16xf32>,
    tpu.vector_store %arg8[%swap3A], %broadcast_in_dim3A_1 {strides = array<i32>} : memref<16xf32, #tpu.memory_space<vmem>>, vector<16xf32>,
    %swap3A_3 = arith.constant 0 : index
    %swap3A_4 = tpu.vector_load %arg9[%swap3A_3] {strides = array<i32>} : memref<16xf32, #tpu.memory_space<vmem>>, vector<16xf32>,
    tpu.vector_store %arg9[%swap3A_3], %broadcast_in_dim3A_1 {strides = array<i32>} : memref<16xf32, #tpu.memory_space<vmem>>, vector<16xf32>,
    %lt3A = arith.constant 96 : i32
    %lt3A_5 = arith.cmpi slt, %add3A, %lt3A : i32
    %convert_element_type3A = arith.extui %lt3A_5 : i1 to i32
    %cond3A = arith.constant 0 : i32
    %cond3A_6 = arith.cmpi ne, %convert_element_type3A, %cond3A : i32
    scf.if %cond3A_6 {
      %jit3A = arith.constant 4 : i32
      %div3A = arith.divsi %add3A, %jit3A : i32
      %sign3A = arith.constant 0 : i32
      %sign3A_25 = arith.cmpi sgt, %add3A, %sign3A : i32
      %sign3A_26 = arith.extui %sign3A_25 : i1 to i32
      %sign3A_27 = arith.constant 0 : i32
      %sign3A_28 = arith.cmpi slt, %add3A, %sign3A_27 : i32
      %sign3A_29 = arith.extui %sign3A_28 : i1 to i32
      %sign3A_30 = arith.subi %sign3A_26, %sign3A_29 : i32
      %sign3A_31 = arith.constant 0 : i32
      %sign3A_32 = arith.cmpi sgt, %jit3A, %sign3A_31 : i32
      %sign3A_33 = arith.extui %sign3A_32 : i1 to i32
      %sign3A_34 = arith.constant 0 : i32
      %sign3A_35 = arith.cmpi slt, %jit3A, %sign3A_34 : i32
      %sign3A_36 = arith.extui %sign3A_35 : i1 to i32
      %sign3A_37 = arith.subi %sign3A_33, %sign3A_36 : i32
      %ne3A = arith.cmpi ne, %sign3A_30, %sign3A_37 : i32
      %rem3A = arith.remsi %add3A, %jit3A : i32
      %ne3A_38 = arith.constant 0 : i32
      %ne3A_39 = arith.cmpi ne, %rem3A, %ne3A_38 : i32
      %and3A = arith.andi %ne3A, %ne3A_39 : i1
      %sub3A_40 = arith.constant 1 : i32
      %sub3A_41 = arith.subi %div3A, %sub3A_40 : i32
      %select_n3A = arith.select %and3A, %sub3A_41, %div3A : i32
      %rem3A_42 = arith.constant 4 : i32
      %rem3A_43 = arith.remsi %add3A, %rem3A_42 : i32
      %mul3A_44 = arith.constant 8 : i32
      %mul3A_45 = arith.muli %select_n3A, %mul3A_44 : i32
      %add3A_46 = arith.constant 808 : i32
      %add3A_47 = arith.addi %add3A_46, %mul3A_45 : i32
      %mul3A_48 = arith.constant 4096 : i32
      %mul3A_49 = arith.muli %rem3A_43, %mul3A_48 : i32
      %dma_start3A = tpu.memref_slice %arg2[%add3A_47, %mul3A_49] : memref<1000x16384xf32, #tpu.memory_space<hbm>> -> memref<8x4096xf32, #tpu.memory_space<hbm>>
      %dma_start3A_50 = tpu.memref_slice %arg2[%add3A_47, %mul3A_49] : memref<1000x16384xf32, #tpu.memory_space<hbm>> -> memref<8x4096xf32, #tpu.memory_space<hbm>>
      tpu.enqueue_dma source(%dma_start3A_50 : memref<8x4096xf32, #tpu.memory_space<hbm>>) target(%arg6 : memref<8x4096xf32, #tpu.memory_space<vmem>>) target_semaphore(%arg11 : memref<!tpu.dma_semaphore, #tpu.memory_space<semaphore_mem>>)
    } else {
    }
    %scan3A = arith.constant 0 : i32
    %scan3A_7 = arith.constant 0 : i32
    %scan3A_8 = arith.constant 3 : i32
    %scan3A_9 = arith.addi %scan3A_7, %scan3A_8 : i32
    %scan3A_10 = arith.constant 1 : i32
    scf.for %scan3A_25 = %scan3A_7 to %scan3A_9 step %scan3A_10  : i32 {
      %mul3A_26 = arith.constant 32 : i32
      %mul3A_27 = arith.muli %scan3A_25, %mul3A_26 : i32
      %add3A_28 = arith.addi %add3A, %mul3A_27 : i32
      %add3A_29 = arith.constant 32 : i32
      %add3A_30 = arith.addi %add3A_28, %add3A_29 : i32
      %rem3A = arith.constant 2 : i32
      %rem3A_31 = arith.remsi %scan3A_25, %rem3A : i32
      %lt3A_32 = arith.constant 96 : i32
      %lt3A_33 = arith.cmpi slt, %add3A_30, %lt3A_32 : i32
      %add3A_34 = arith.constant 1 : i32
      %add3A_35 = arith.addi %scan3A_25, %add3A_34 : i32
      %rem3A_36 = arith.constant 2 : i32
      %rem3A_37 = arith.remsi %add3A_35, %rem3A_36 : i32
      %eq3A = arith.constant 1 : i32
      %eq3A_38 = arith.cmpi eq, %rem3A_37, %eq3A : i32
      %and3A = arith.andi %lt3A_33, %eq3A_38 : i1
      %convert_element_type3A_39 = arith.extui %and3A : i1 to i32
      %cond3A_40 = arith.constant 0 : i32
      %cond3A_41 = arith.cmpi ne, %convert_element_type3A_39, %cond3A_40 : i32
      scf.if %cond3A_41 {
        %jit3A = arith.constant 4 : i32
        %div3A = arith.divsi %add3A_30, %jit3A : i32
        %sign3A = arith.constant 0 : i32
        %sign3A_70 = arith.cmpi sgt, %add3A_30, %sign3A : i32
        %sign3A_71 = arith.extui %sign3A_70 : i1 to i32
        %sign3A_72 = arith.constant 0 : i32
        %sign3A_73 = arith.cmpi slt, %add3A_30, %sign3A_72 : i32
        %sign3A_74 = arith.extui %sign3A_73 : i1 to i32
        %sign3A_75 = arith.subi %sign3A_71, %sign3A_74 : i32
        %sign3A_76 = arith.constant 0 : i32
        %sign3A_77 = arith.cmpi sgt, %jit3A, %sign3A_76 : i32
        %sign3A_78 = arith.extui %sign3A_77 : i1 to i32
        %sign3A_79 = arith.constant 0 : i32
        %sign3A_80 = arith.cmpi slt, %jit3A, %sign3A_79 : i32
        %sign3A_81 = arith.extui %sign3A_80 : i1 to i32
        %sign3A_82 = arith.subi %sign3A_78, %sign3A_81 : i32
        %ne3A = arith.cmpi ne, %sign3A_75, %sign3A_82 : i32
        %rem3A_83 = arith.remsi %add3A_30, %jit3A : i32
        %ne3A_84 = arith.constant 0 : i32
        %ne3A_85 = arith.cmpi ne, %rem3A_83, %ne3A_84 : i32
        %and3A_86 = arith.andi %ne3A, %ne3A_85 : i1
        %sub3A_87 = arith.constant 1 : i32
        %sub3A_88 = arith.subi %div3A, %sub3A_87 : i32
        %select_n3A = arith.select %and3A_86, %sub3A_88, %div3A : i32
        %rem3A_89 = arith.constant 4 : i32
        %rem3A_90 = arith.remsi %add3A_30, %rem3A_89 : i32
        %mul3A_91 = arith.constant 8 : i32
        %mul3A_92 = arith.muli %select_n3A, %mul3A_91 : i32
        %add3A_93 = arith.constant 808 : i32
        %add3A_94 = arith.addi %add3A_93, %mul3A_92 : i32
        %mul3A_95 = arith.constant 4096 : i32
        %mul3A_96 = arith.muli %rem3A_90, %mul3A_95 : i32
        %dma_start3A = tpu.memref_slice %arg2[%add3A_94, %mul3A_96] : memref<1000x16384xf32, #tpu.memory_space<hbm>> -> memref<8x4096xf32, #tpu.memory_space<hbm>>
        %dma_start3A_97 = tpu.memref_slice %arg2[%add3A_94, %mul3A_96] : memref<1000x16384xf32, #tpu.memory_space<hbm>> -> memref<8x4096xf32, #tpu.memory_space<hbm>>
        tpu.enqueue_dma source(%dma_start3A_97 : memref<8x4096xf32, #tpu.memory_space<hbm>>) target(%arg7 : memref<8x4096xf32, #tpu.memory_space<vmem>>) target_semaphore(%arg12 : memref<!tpu.dma_semaphore, #tpu.memory_space<semaphore_mem>>)
      } else {
      }
      %lt3A_42 = arith.constant 96 : i32
      %lt3A_43 = arith.cmpi slt, %add3A_30, %lt3A_42 : i32
      %add3A_44 = arith.constant 1 : i32
      %add3A_45 = arith.addi %scan3A_25, %add3A_44 : i32
      %rem3A_46 = arith.constant 2 : i32
      %rem3A_47 = arith.remsi %add3A_45, %rem3A_46 : i32
      %eq3A_48 = arith.constant 0 : i32
      %eq3A_49 = arith.cmpi eq, %rem3A_47, %eq3A_48 : i32
      %and3A_50 = arith.andi %lt3A_43, %eq3A_49 : i1
      %convert_element_type3A_51 = arith.extui %and3A_50 : i1 to i32
      %cond3A_52 = arith.constant 0 : i32
      %cond3A_53 = arith.cmpi ne, %convert_element_type3A_51, %cond3A_52 : i32
      scf.if %cond3A_53 {
        %jit3A = arith.constant 4 : i32
        %div3A = arith.divsi %add3A_30, %jit3A : i32
        %sign3A = arith.constant 0 : i32
        %sign3A_70 = arith.cmpi sgt, %add3A_30, %sign3A : i32
        %sign3A_71 = arith.extui %sign3A_70 : i1 to i32
        %sign3A_72 = arith.constant 0 : i32
        %sign3A_73 = arith.cmpi slt, %add3A_30, %sign3A_72 : i32
        %sign3A_74 = arith.extui %sign3A_73 : i1 to i32
        %sign3A_75 = arith.subi %sign3A_71, %sign3A_74 : i32
        %sign3A_76 = arith.constant 0 : i32
        %sign3A_77 = arith.cmpi sgt, %jit3A, %sign3A_76 : i32
        %sign3A_78 = arith.extui %sign3A_77 : i1 to i32
        %sign3A_79 = arith.constant 0 : i32
        %sign3A_80 = arith.cmpi slt, %jit3A, %sign3A_79 : i32
        %sign3A_81 = arith.extui %sign3A_80 : i1 to i32
        %sign3A_82 = arith.subi %sign3A_78, %sign3A_81 : i32
        %ne3A = arith.cmpi ne, %sign3A_75, %sign3A_82 : i32
        %rem3A_83 = arith.remsi %add3A_30, %jit3A : i32
        %ne3A_84 = arith.constant 0 : i32
        %ne3A_85 = arith.cmpi ne, %rem3A_83, %ne3A_84 : i32
        %and3A_86 = arith.andi %ne3A, %ne3A_85 : i1
        %sub3A_87 = arith.constant 1 : i32
        %sub3A_88 = arith.subi %div3A, %sub3A_87 : i32
        %select_n3A = arith.select %and3A_86, %sub3A_88, %div3A : i32
        %rem3A_89 = arith.constant 4 : i32
        %rem3A_90 = arith.remsi %add3A_30, %rem3A_89 : i32
        %mul3A_91 = arith.constant 8 : i32
        %mul3A_92 = arith.muli %select_n3A, %mul3A_91 : i32
        %add3A_93 = arith.constant 808 : i32
        %add3A_94 = arith.addi %add3A_93, %mul3A_92 : i32
        %mul3A_95 = arith.constant 4096 : i32
        %mul3A_96 = arith.muli %rem3A_90, %mul3A_95 : i32
        %dma_start3A = tpu.memref_slice %arg2[%add3A_94, %mul3A_96] : memref<1000x16384xf32, #tpu.memory_space<hbm>> -> memref<8x4096xf32, #tpu.memory_space<hbm>>
        %dma_start3A_97 = tpu.memref_slice %arg2[%add3A_94, %mul3A_96] : memref<1000x16384xf32, #tpu.memory_space<hbm>> -> memref<8x4096xf32, #tpu.memory_space<hbm>>
        tpu.enqueue_dma source(%dma_start3A_97 : memref<8x4096xf32, #tpu.memory_space<hbm>>) target(%arg6 : memref<8x4096xf32, #tpu.memory_space<vmem>>) target_semaphore(%arg11 : memref<!tpu.dma_semaphore, #tpu.memory_space<semaphore_mem>>)
      } else {
      }
      %lt3A_54 = arith.constant 96 : i32
      %lt3A_55 = arith.cmpi slt, %add3A_28, %lt3A_54 : i32
      %eq3A_56 = arith.constant 0 : i32
      %eq3A_57 = arith.cmpi eq, %rem3A_31, %eq3A_56 : i32
      %and3A_58 = arith.andi %lt3A_55, %eq3A_57 : i1
      %convert_element_type3A_59 = arith.extui %and3A_58 : i1 to i32
      %cond3A_60 = arith.constant 0 : i32
      %cond3A_61 = arith.cmpi ne, %convert_element_type3A_59, %cond3A_60 : i32
      scf.if %cond3A_61 {
        %dma_wait3A = arith.constant 0 : i32
        %dma_wait3A_70 = arith.constant 0 : i32
        %dma_wait3A_71 = tpu.memref_slice %arg2[%dma_wait3A, %dma_wait3A_70] : memref<1000x16384xf32, #tpu.memory_space<hbm>> -> memref<8x4096xf32, #tpu.memory_space<hbm>>
        %dma_wait3A_72 = arith.constant 0 : i32
        %dma_wait3A_73 = arith.constant 0 : i32
        %dma_wait3A_74 = tpu.memref_slice %arg2[%dma_wait3A_72, %dma_wait3A_73] : memref<1000x16384xf32, #tpu.memory_space<hbm>> -> memref<8x4096xf32, #tpu.memory_space<hbm>>
        tpu.wait_dma2 semaphore(%arg11 : memref<!tpu.dma_semaphore, #tpu.memory_space<semaphore_mem>>) src(%dma_wait3A_74 : memref<8x4096xf32, #tpu.memory_space<hbm>>) dst(%arg6 : memref<8x4096xf32, #tpu.memory_space<vmem>>)
        %jit3A = arith.constant 4 : i32
        %div3A = arith.divsi %add3A_28, %jit3A : i32
        %sign3A = arith.constant 0 : i32
        %sign3A_75 = arith.cmpi sgt, %add3A_28, %sign3A : i32
        %sign3A_76 = arith.extui %sign3A_75 : i1 to i32
        %sign3A_77 = arith.constant 0 : i32
        %sign3A_78 = arith.cmpi slt, %add3A_28, %sign3A_77 : i32
        %sign3A_79 = arith.extui %sign3A_78 : i1 to i32
        %sign3A_80 = arith.subi %sign3A_76, %sign3A_79 : i32
        %sign3A_81 = arith.constant 0 : i32
        %sign3A_82 = arith.cmpi sgt, %jit3A, %sign3A_81 : i32
        %sign3A_83 = arith.extui %sign3A_82 : i1 to i32
        %sign3A_84 = arith.constant 0 : i32
        %sign3A_85 = arith.cmpi slt, %jit3A, %sign3A_84 : i32
        %sign3A_86 = arith.extui %sign3A_85 : i1 to i32
        %sign3A_87 = arith.subi %sign3A_83, %sign3A_86 : i32
        %ne3A = arith.cmpi ne, %sign3A_80, %sign3A_87 : i32
        %rem3A_88 = arith.remsi %add3A_28, %jit3A : i32
        %ne3A_89 = arith.constant 0 : i32
        %ne3A_90 = arith.cmpi ne, %rem3A_88, %ne3A_89 : i32
        %and3A_91 = arith.andi %ne3A, %ne3A_90 : i1
        %sub3A_92 = arith.constant 1 : i32
        %sub3A_93 = arith.subi %div3A, %sub3A_92 : i32
        %select_n3A = arith.select %and3A_91, %sub3A_93, %div3A : i32
        %rem3A_94 = arith.constant 4 : i32
        %rem3A_95 = arith.remsi %add3A_28, %rem3A_94 : i32
        %mul3A_96 = arith.constant 8 : i32
        %mul3A_97 = arith.muli %select_n3A, %mul3A_96 : i32
        %add3A_98 = arith.constant 808 : i32
        %add3A_99 = arith.addi %add3A_98, %mul3A_97 : i32
        %mul3A_100 = arith.constant 4096 : i32
        %mul3A_101 = arith.muli %rem3A_95, %mul3A_100 : i32
        %get3A_102 = arith.constant 0 : index
        %get3A_103 = tpu.vector_load %arg8[%get3A_102] {strides = array<i32>} : memref<16xf32, #tpu.memory_space<vmem>>, vector<16xf32>,
        %get3A_104 = arith.constant 0 : index
        %get3A_105 = tpu.vector_load %arg9[%get3A_104] {strides = array<i32>} : memref<16xf32, #tpu.memory_space<vmem>>, vector<16xf32>,
        %scan3A_106 = arith.constant 0 : i32
        %scan3A_107 = arith.constant 256 : i32
        %scan3A_108 = arith.addi %scan3A_106, %scan3A_107 : i32
        %scan3A_109 = arith.constant 1 : i32
        %scan3A_110:2 = scf.for %scan3A_116 = %scan3A_106 to %scan3A_108 step %scan3A_109 iter_args(%scan3A_117 = %get3A_103, %scan3A_118 = %get3A_105) -> (vector<16xf32>, vector<16xf32>)  : i32 {
          %mul3A_119 = arith.constant 16 : i32
          %mul3A_120 = arith.muli %scan3A_116, %mul3A_119 : i32
          %add3A_121 = arith.addi %mul3A_101, %mul3A_120 : i32
          %get3A_122 = arith.index_cast %add3A_121 : i32 to index
          %get3A_123 = tpu.vector_load %arg5[%get3A_122] {strides = array<i32>} : memref<16384xi32, #tpu.memory_space<vmem>>, vector<16xi32>,
          %ne3A_124 = arith.constant 0 : i32
          %ne3A_125 = vector.broadcast %ne3A_124 : i32 to vector<16xi32>
          %ne3A_126 = arith.cmpi ne, %get3A_123, %ne3A_125 : vector<16xi32>
          %get3A_127 = arith.constant 0 : i32
          %get3A_128 = arith.index_cast %get3A_127 : i32 to index
          %get3A_129 = arith.index_cast %mul3A_120 : i32 to index
          %get3A_130 = tpu.vector_load %arg6[%get3A_128, %get3A_129] {strides = array<i32>} : memref<8x4096xf32, #tpu.memory_space<vmem>>, vector<16xf32>,
          %select_n3A_131 = arith.select %ne3A_126, %get3A_130, %broadcast_in_dim3A_1 : vector<16xi1>, vector<16xf32>
          %add3A_132 = arith.addf %scan3A_117, %select_n3A_131 : vector<16xf32>
          %get3A_133 = arith.constant 1 : i32
          %get3A_134 = arith.index_cast %get3A_133 : i32 to index
          %get3A_135 = arith.index_cast %mul3A_120 : i32 to index
          %get3A_136 = tpu.vector_load %arg6[%get3A_134, %get3A_135] {strides = array<i32>} : memref<8x4096xf32, #tpu.memory_space<vmem>>, vector<16xf32>,
          %select_n3A_137 = arith.select %ne3A_126, %get3A_136, %broadcast_in_dim3A_1 : vector<16xi1>, vector<16xf32>
          %add3A_138 = arith.addf %add3A_132, %select_n3A_137 : vector<16xf32>
          %get3A_139 = arith.constant 2 : i32
          %get3A_140 = arith.index_cast %get3A_139 : i32 to index
          %get3A_141 = arith.index_cast %mul3A_120 : i32 to index
          %get3A_142 = tpu.vector_load %arg6[%get3A_140, %get3A_141] {strides = array<i32>} : memref<8x4096xf32, #tpu.memory_space<vmem>>, vector<16xf32>,
          %select_n3A_143 = arith.select %ne3A_126, %get3A_142, %broadcast_in_dim3A_1 : vector<16xi1>, vector<16xf32>
          %add3A_144 = arith.addf %add3A_138, %select_n3A_143 : vector<16xf32>
          %get3A_145 = arith.constant 3 : i32
          %get3A_146 = arith.index_cast %get3A_145 : i32 to index
          %get3A_147 = arith.index_cast %mul3A_120 : i32 to index
          %get3A_148 = tpu.vector_load %arg6[%get3A_146, %get3A_147] {strides = array<i32>} : memref<8x4096xf32, #tpu.memory_space<vmem>>, vector<16xf32>,
          %select_n3A_149 = arith.select %ne3A_126, %get3A_148, %broadcast_in_dim3A_1 : vector<16xi1>, vector<16xf32>
          %add3A_150 = arith.addf %add3A_144, %select_n3A_149 : vector<16xf32>
          %get3A_151 = arith.constant 4 : i32
          %get3A_152 = arith.index_cast %get3A_151 : i32 to index
          %get3A_153 = arith.index_cast %mul3A_120 : i32 to index
          %get3A_154 = tpu.vector_load %arg6[%get3A_152, %get3A_153] {strides = array<i32>} : memref<8x4096xf32, #tpu.memory_space<vmem>>, vector<16xf32>,
          %select_n3A_155 = arith.select %ne3A_126, %get3A_154, %broadcast_in_dim3A_1 : vector<16xi1>, vector<16xf32>
          %add3A_156 = arith.addf %add3A_150, %select_n3A_155 : vector<16xf32>
          %get3A_157 = arith.constant 5 : i32
          %get3A_158 = arith.index_cast %get3A_157 : i32 to index
          %get3A_159 = arith.index_cast %mul3A_120 : i32 to index
          %get3A_160 = tpu.vector_load %arg6[%get3A_158, %get3A_159] {strides = array<i32>} : memref<8x4096xf32, #tpu.memory_space<vmem>>, vector<16xf32>,
          %select_n3A_161 = arith.select %ne3A_126, %get3A_160, %broadcast_in_dim3A_1 : vector<16xi1>, vector<16xf32>
          %add3A_162 = arith.addf %add3A_156, %select_n3A_161 : vector<16xf32>
          %get3A_163 = arith.constant 6 : i32
          %get3A_164 = arith.index_cast %get3A_163 : i32 to index
          %get3A_165 = arith.index_cast %mul3A_120 : i32 to index
          %get3A_166 = tpu.vector_load %arg6[%get3A_164, %get3A_165] {strides = array<i32>} : memref<8x4096xf32, #tpu.memory_space<vmem>>, vector<16xf32>,
          %select_n3A_167 = arith.select %ne3A_126, %get3A_166, %broadcast_in_dim3A_1 : vector<16xi1>, vector<16xf32>
          %add3A_168 = arith.addf %add3A_162, %select_n3A_167 : vector<16xf32>
          %get3A_169 = arith.constant 7 : i32
          %get3A_170 = arith.index_cast %get3A_169 : i32 to index
          %get3A_171 = arith.index_cast %mul3A_120 : i32 to index
          %get3A_172 = tpu.vector_load %arg6[%get3A_170, %get3A_171] {strides = array<i32>} : memref<8x4096xf32, #tpu.memory_space<vmem>>, vector<16xf32>,
          %select_n3A_173 = arith.select %ne3A_126, %get3A_172, %broadcast_in_dim3A_1 : vector<16xi1>, vector<16xf32>
          %add3A_174 = arith.addf %add3A_168, %select_n3A_173 : vector<16xf32>
          %sub3A_175 = vector.broadcast %add3A_99 : i32 to vector<16xi32>
          %sub3A_176 = arith.subi %get3A_123, %sub3A_175 : vector<16xi32>
          %ge3A = arith.constant 0 : i32
          %ge3A_177 = vector.broadcast %ge3A : i32 to vector<16xi32>
          %ge3A_178 = arith.cmpi sge, %sub3A_176, %ge3A_177 : vector<16xi32>
          %lt3A_179 = arith.constant 8 : i32
          %lt3A_180 = vector.broadcast %lt3A_179 : i32 to vector<16xi32>
          %lt3A_181 = arith.cmpi slt, %sub3A_176, %lt3A_180 : vector<16xi32>
          %and3A_182 = arith.andi %ge3A_178, %lt3A_181 : vector<16xi1>
          %broadcast_in_dim3A_183 = arith.constant 0 : i32
          %broadcast_in_dim3A_184 = vector.broadcast %broadcast_in_dim3A_183 : i32 to vector<16xi32>
          %select_n3A_185 = arith.select %and3A_182, %sub3A_176, %broadcast_in_dim3A_184 : vector<16xi1>, vector<16xi32>
          %add3A_186 = vector.broadcast %mul3A_120 : i32 to vector<16xi32>
          %add3A_187 = arith.addi %add3A_186, %iota3A : vector<16xi32>
          %gather3A = tpu.vector_load_idx %arg6[%select_n3A_185, %add3A_187] : memref<8x4096xf32, #tpu.memory_space<vmem>>[vector<16xi32>, vector<16xi32>], vector<16xf32>,
          %select_n3A_188 = arith.select %and3A_182, %gather3A, %broadcast_in_dim3A_1 : vector<16xi1>, vector<16xf32>
          %add3A_189 = arith.addf %scan3A_118, %select_n3A_188 : vector<16xf32>
          scf.yield %add3A_174, %add3A_189 : vector<16xf32>, vector<16xf32>
        }
        %scan3A_111 = arith.constant 256 : i32
        %swap3A_112 = arith.constant 0 : index
        %swap3A_113 = tpu.vector_load %arg8[%swap3A_112] {strides = array<i32>} : memref<16xf32, #tpu.memory_space<vmem>>, vector<16xf32>,
        tpu.vector_store %arg8[%swap3A_112], %scan3A_110#0 {strides = array<i32>} : memref<16xf32, #tpu.memory_space<vmem>>, vector<16xf32>,
        %swap3A_114 = arith.constant 0 : index
        %swap3A_115 = tpu.vector_load %arg9[%swap3A_114] {strides = array<i32>} : memref<16xf32, #tpu.memory_space<vmem>>, vector<16xf32>,
        tpu.vector_store %arg9[%swap3A_114], %scan3A_110#1 {strides = array<i32>} : memref<16xf32, #tpu.memory_space<vmem>>, vector<16xf32>,
      } else {
      }
      %lt3A_62 = arith.constant 96 : i32
      %lt3A_63 = arith.cmpi slt, %add3A_28, %lt3A_62 : i32
      %eq3A_64 = arith.constant 1 : i32
      %eq3A_65 = arith.cmpi eq, %rem3A_31, %eq3A_64 : i32
      %and3A_66 = arith.andi %lt3A_63, %eq3A_65 : i1
      %convert_element_type3A_67 = arith.extui %and3A_66 : i1 to i32
      %cond3A_68 = arith.constant 0 : i32
      %cond3A_69 = arith.cmpi ne, %convert_element_type3A_67, %cond3A_68 : i32
      scf.if %cond3A_69 {
        %dma_wait3A = arith.constant 0 : i32
        %dma_wait3A_70 = arith.constant 0 : i32
        %dma_wait3A_71 = tpu.memref_slice %arg2[%dma_wait3A, %dma_wait3A_70] : memref<1000x16384xf32, #tpu.memory_space<hbm>> -> memref<8x4096xf32, #tpu.memory_space<hbm>>
        %dma_wait3A_72 = arith.constant 0 : i32
        %dma_wait3A_73 = arith.constant 0 : i32
        %dma_wait3A_74 = tpu.memref_slice %arg2[%dma_wait3A_72, %dma_wait3A_73] : memref<1000x16384xf32, #tpu.memory_space<hbm>> -> memref<8x4096xf32, #tpu.memory_space<hbm>>
        tpu.wait_dma2 semaphore(%arg12 : memref<!tpu.dma_semaphore, #tpu.memory_space<semaphore_mem>>) src(%dma_wait3A_74 : memref<8x4096xf32, #tpu.memory_space<hbm>>) dst(%arg7 : memref<8x4096xf32, #tpu.memory_space<vmem>>)
        %jit3A = arith.constant 4 : i32
        %div3A = arith.divsi %add3A_28, %jit3A : i32
        %sign3A = arith.constant 0 : i32
        %sign3A_75 = arith.cmpi sgt, %add3A_28, %sign3A : i32
        %sign3A_76 = arith.extui %sign3A_75 : i1 to i32
        %sign3A_77 = arith.constant 0 : i32
        %sign3A_78 = arith.cmpi slt, %add3A_28, %sign3A_77 : i32
        %sign3A_79 = arith.extui %sign3A_78 : i1 to i32
        %sign3A_80 = arith.subi %sign3A_76, %sign3A_79 : i32
        %sign3A_81 = arith.constant 0 : i32
        %sign3A_82 = arith.cmpi sgt, %jit3A, %sign3A_81 : i32
        %sign3A_83 = arith.extui %sign3A_82 : i1 to i32
        %sign3A_84 = arith.constant 0 : i32
        %sign3A_85 = arith.cmpi slt, %jit3A, %sign3A_84 : i32
        %sign3A_86 = arith.extui %sign3A_85 : i1 to i32
        %sign3A_87 = arith.subi %sign3A_83, %sign3A_86 : i32
        %ne3A = arith.cmpi ne, %sign3A_80, %sign3A_87 : i32
        %rem3A_88 = arith.remsi %add3A_28, %jit3A : i32
        %ne3A_89 = arith.constant 0 : i32
        %ne3A_90 = arith.cmpi ne, %rem3A_88, %ne3A_89 : i32
        %and3A_91 = arith.andi %ne3A, %ne3A_90 : i1
        %sub3A_92 = arith.constant 1 : i32
        %sub3A_93 = arith.subi %div3A, %sub3A_92 : i32
        %select_n3A = arith.select %and3A_91, %sub3A_93, %div3A : i32
        %rem3A_94 = arith.constant 4 : i32
        %rem3A_95 = arith.remsi %add3A_28, %rem3A_94 : i32
        %mul3A_96 = arith.constant 8 : i32
        %mul3A_97 = arith.muli %select_n3A, %mul3A_96 : i32
        %add3A_98 = arith.constant 808 : i32
        %add3A_99 = arith.addi %add3A_98, %mul3A_97 : i32
        %mul3A_100 = arith.constant 4096 : i32
        %mul3A_101 = arith.muli %rem3A_95, %mul3A_100 : i32
        %get3A_102 = arith.constant 0 : index
        %get3A_103 = tpu.vector_load %arg8[%get3A_102] {strides = array<i32>} : memref<16xf32, #tpu.memory_space<vmem>>, vector<16xf32>,
        %get3A_104 = arith.constant 0 : index
        %get3A_105 = tpu.vector_load %arg9[%get3A_104] {strides = array<i32>} : memref<16xf32, #tpu.memory_space<vmem>>, vector<16xf32>,
        %scan3A_106 = arith.constant 0 : i32
        %scan3A_107 = arith.constant 256 : i32
        %scan3A_108 = arith.addi %scan3A_106, %scan3A_107 : i32
        %scan3A_109 = arith.constant 1 : i32
        %scan3A_110:2 = scf.for %scan3A_116 = %scan3A_106 to %scan3A_108 step %scan3A_109 iter_args(%scan3A_117 = %get3A_103, %scan3A_118 = %get3A_105) -> (vector<16xf32>, vector<16xf32>)  : i32 {
          %mul3A_119 = arith.constant 16 : i32
          %mul3A_120 = arith.muli %scan3A_116, %mul3A_119 : i32
          %add3A_121 = arith.addi %mul3A_101, %mul3A_120 : i32
          %get3A_122 = arith.index_cast %add3A_121 : i32 to index
          %get3A_123 = tpu.vector_load %arg5[%get3A_122] {strides = array<i32>} : memref<16384xi32, #tpu.memory_space<vmem>>, vector<16xi32>,
          %ne3A_124 = arith.constant 0 : i32
          %ne3A_125 = vector.broadcast %ne3A_124 : i32 to vector<16xi32>
          %ne3A_126 = arith.cmpi ne, %get3A_123, %ne3A_125 : vector<16xi32>
          %get3A_127 = arith.constant 0 : i32
          %get3A_128 = arith.index_cast %get3A_127 : i32 to index
          %get3A_129 = arith.index_cast %mul3A_120 : i32 to index
          %get3A_130 = tpu.vector_load %arg7[%get3A_128, %get3A_129] {strides = array<i32>} : memref<8x4096xf32, #tpu.memory_space<vmem>>, vector<16xf32>,
          %select_n3A_131 = arith.select %ne3A_126, %get3A_130, %broadcast_in_dim3A_1 : vector<16xi1>, vector<16xf32>
          %add3A_132 = arith.addf %scan3A_117, %select_n3A_131 : vector<16xf32>
          %get3A_133 = arith.constant 1 : i32
          %get3A_134 = arith.index_cast %get3A_133 : i32 to index
          %get3A_135 = arith.index_cast %mul3A_120 : i32 to index
          %get3A_136 = tpu.vector_load %arg7[%get3A_134, %get3A_135] {strides = array<i32>} : memref<8x4096xf32, #tpu.memory_space<vmem>>, vector<16xf32>,
          %select_n3A_137 = arith.select %ne3A_126, %get3A_136, %broadcast_in_dim3A_1 : vector<16xi1>, vector<16xf32>
          %add3A_138 = arith.addf %add3A_132, %select_n3A_137 : vector<16xf32>
          %get3A_139 = arith.constant 2 : i32
          %get3A_140 = arith.index_cast %get3A_139 : i32 to index
          %get3A_141 = arith.index_cast %mul3A_120 : i32 to index
          %get3A_142 = tpu.vector_load %arg7[%get3A_140, %get3A_141] {strides = array<i32>} : memref<8x4096xf32, #tpu.memory_space<vmem>>, vector<16xf32>,
          %select_n3A_143 = arith.select %ne3A_126, %get3A_142, %broadcast_in_dim3A_1 : vector<16xi1>, vector<16xf32>
          %add3A_144 = arith.addf %add3A_138, %select_n3A_143 : vector<16xf32>
          %get3A_145 = arith.constant 3 : i32
          %get3A_146 = arith.index_cast %get3A_145 : i32 to index
          %get3A_147 = arith.index_cast %mul3A_120 : i32 to index
          %get3A_148 = tpu.vector_load %arg7[%get3A_146, %get3A_147] {strides = array<i32>} : memref<8x4096xf32, #tpu.memory_space<vmem>>, vector<16xf32>,
          %select_n3A_149 = arith.select %ne3A_126, %get3A_148, %broadcast_in_dim3A_1 : vector<16xi1>, vector<16xf32>
          %add3A_150 = arith.addf %add3A_144, %select_n3A_149 : vector<16xf32>
          %get3A_151 = arith.constant 4 : i32
          %get3A_152 = arith.index_cast %get3A_151 : i32 to index
          %get3A_153 = arith.index_cast %mul3A_120 : i32 to index
          %get3A_154 = tpu.vector_load %arg7[%get3A_152, %get3A_153] {strides = array<i32>} : memref<8x4096xf32, #tpu.memory_space<vmem>>, vector<16xf32>,
          %select_n3A_155 = arith.select %ne3A_126, %get3A_154, %broadcast_in_dim3A_1 : vector<16xi1>, vector<16xf32>
          %add3A_156 = arith.addf %add3A_150, %select_n3A_155 : vector<16xf32>
          %get3A_157 = arith.constant 5 : i32
          %get3A_158 = arith.index_cast %get3A_157 : i32 to index
          %get3A_159 = arith.index_cast %mul3A_120 : i32 to index
          %get3A_160 = tpu.vector_load %arg7[%get3A_158, %get3A_159] {strides = array<i32>} : memref<8x4096xf32, #tpu.memory_space<vmem>>, vector<16xf32>,
          %select_n3A_161 = arith.select %ne3A_126, %get3A_160, %broadcast_in_dim3A_1 : vector<16xi1>, vector<16xf32>
          %add3A_162 = arith.addf %add3A_156, %select_n3A_161 : vector<16xf32>
          %get3A_163 = arith.constant 6 : i32
          %get3A_164 = arith.index_cast %get3A_163 : i32 to index
          %get3A_165 = arith.index_cast %mul3A_120 : i32 to index
          %get3A_166 = tpu.vector_load %arg7[%get3A_164, %get3A_165] {strides = array<i32>} : memref<8x4096xf32, #tpu.memory_space<vmem>>, vector<16xf32>,
          %select_n3A_167 = arith.select %ne3A_126, %get3A_166, %broadcast_in_dim3A_1 : vector<16xi1>, vector<16xf32>
          %add3A_168 = arith.addf %add3A_162, %select_n3A_167 : vector<16xf32>
          %get3A_169 = arith.constant 7 : i32
          %get3A_170 = arith.index_cast %get3A_169 : i32 to index
          %get3A_171 = arith.index_cast %mul3A_120 : i32 to index
          %get3A_172 = tpu.vector_load %arg7[%get3A_170, %get3A_171] {strides = array<i32>} : memref<8x4096xf32, #tpu.memory_space<vmem>>, vector<16xf32>,
          %select_n3A_173 = arith.select %ne3A_126, %get3A_172, %broadcast_in_dim3A_1 : vector<16xi1>, vector<16xf32>
          %add3A_174 = arith.addf %add3A_168, %select_n3A_173 : vector<16xf32>
          %sub3A_175 = vector.broadcast %add3A_99 : i32 to vector<16xi32>
          %sub3A_176 = arith.subi %get3A_123, %sub3A_175 : vector<16xi32>
          %ge3A = arith.constant 0 : i32
          %ge3A_177 = vector.broadcast %ge3A : i32 to vector<16xi32>
          %ge3A_178 = arith.cmpi sge, %sub3A_176, %ge3A_177 : vector<16xi32>
          %lt3A_179 = arith.constant 8 : i32
          %lt3A_180 = vector.broadcast %lt3A_179 : i32 to vector<16xi32>
          %lt3A_181 = arith.cmpi slt, %sub3A_176, %lt3A_180 : vector<16xi32>
          %and3A_182 = arith.andi %ge3A_178, %lt3A_181 : vector<16xi1>
          %broadcast_in_dim3A_183 = arith.constant 0 : i32
          %broadcast_in_dim3A_184 = vector.broadcast %broadcast_in_dim3A_183 : i32 to vector<16xi32>
          %select_n3A_185 = arith.select %and3A_182, %sub3A_176, %broadcast_in_dim3A_184 : vector<16xi1>, vector<16xi32>
          %add3A_186 = vector.broadcast %mul3A_120 : i32 to vector<16xi32>
          %add3A_187 = arith.addi %add3A_186, %iota3A : vector<16xi32>
          %gather3A = tpu.vector_load_idx %arg7[%select_n3A_185, %add3A_187] : memref<8x4096xf32, #tpu.memory_space<vmem>>[vector<16xi32>, vector<16xi32>], vector<16xf32>,
          %select_n3A_188 = arith.select %and3A_182, %gather3A, %broadcast_in_dim3A_1 : vector<16xi1>, vector<16xf32>
          %add3A_189 = arith.addf %scan3A_118, %select_n3A_188 : vector<16xf32>
          scf.yield %add3A_174, %add3A_189 : vector<16xf32>, vector<16xf32>
        }
        %scan3A_111 = arith.constant 256 : i32
        %swap3A_112 = arith.constant 0 : index
        %swap3A_113 = tpu.vector_load %arg8[%swap3A_112] {strides = array<i32>} : memref<16xf32, #tpu.memory_space<vmem>>, vector<16xf32>,
        tpu.vector_store %arg8[%swap3A_112], %scan3A_110#0 {strides = array<i32>} : memref<16xf32, #tpu.memory_space<vmem>>, vector<16xf32>,
        %swap3A_114 = arith.constant 0 : index
        %swap3A_115 = tpu.vector_load %arg9[%swap3A_114] {strides = array<i32>} : memref<16xf32, #tpu.memory_space<vmem>>, vector<16xf32>,
        tpu.vector_store %arg9[%swap3A_114], %scan3A_110#1 {strides = array<i32>} : memref<16xf32, #tpu.memory_space<vmem>>, vector<16xf32>,
      } else {
      }
    }
    %scan3A_11 = arith.constant 3 : i32
    %get3A = arith.constant 0 : index
    %get3A_12 = tpu.vector_load %arg8[%get3A] {strides = array<i32>} : memref<16xf32, #tpu.memory_space<vmem>>, vector<16xf32>,
    %mul3A_13 = arith.constant -1.00200399E-4 : f32
    %mul3A_14 = vector.broadcast %mul3A_13 : f32 to vector<16xf32>
    %mul3A_15 = arith.mulf %mul3A_14, %get3A_12 : vector<16xf32>
    %get3A_16 = arith.constant 0 : index
    %get3A_17 = tpu.vector_load %arg9[%get3A_16] {strides = array<i32>} : memref<16xf32, #tpu.memory_space<vmem>>, vector<16xf32>,
    %mul3A_18 = arith.constant 0.89989978 : f32
    %mul3A_19 = vector.broadcast %mul3A_18 : f32 to vector<16xf32>
    %mul3A_20 = arith.mulf %mul3A_19, %get3A_17 : vector<16xf32>
    %sub3A = arith.subf %mul3A_15, %mul3A_20 : vector<16xf32>
    %swap3A_21 = arith.constant 0 : index
    %swap3A_22 = tpu.vector_load %arg10[%swap3A_21] {strides = array<i32>} : memref<16xf32, #tpu.memory_space<vmem>>, vector<16xf32>,
    tpu.vector_store %arg10[%swap3A_21], %sub3A {strides = array<i32>} : memref<16xf32, #tpu.memory_space<vmem>>, vector<16xf32>,
    %mul3A_23 = arith.constant 16 : i32
    %mul3A_24 = arith.muli %add3A, %mul3A_23 : i32
    "tpu.region"() ({
      %run_scoped3A = tpu.sem_alloc : memref<!tpu.dma_semaphore, #tpu.memory_space<semaphore_mem>>
      %dma_start3A = tpu.memref_slice %arg4[%mul3A_24] : memref<512xf32, #tpu.memory_space<hbm>> -> memref<16xf32, #tpu.memory_space<hbm>>
      %dma_start3A_25 = tpu.memref_slice %arg4[%mul3A_24] : memref<512xf32, #tpu.memory_space<hbm>> -> memref<16xf32, #tpu.memory_space<hbm>>
      tpu.enqueue_dma source(%arg10 : memref<16xf32, #tpu.memory_space<vmem>>) target(%dma_start3A_25 : memref<16xf32, #tpu.memory_space<hbm>>) target_semaphore(%run_scoped3A : memref<!tpu.dma_semaphore, #tpu.memory_space<semaphore_mem>>)
      %dma_wait3A = tpu.memref_slice %arg4[%mul3A_24] : memref<512xf32, #tpu.memory_space<hbm>> -> memref<16xf32, #tpu.memory_space<hbm>>
      %dma_wait3A_26 = tpu.memref_slice %arg4[%mul3A_24] : memref<512xf32, #tpu.memory_space<hbm>> -> memref<16xf32, #tpu.memory_space<hbm>>
      tpu.wait_dma2 semaphore(%run_scoped3A : memref<!tpu.dma_semaphore, #tpu.memory_space<semaphore_mem>>) src(%arg10 : memref<16xf32, #tpu.memory_space<vmem>>) dst(%dma_wait3A_26 : memref<16xf32, #tpu.memory_space<hbm>>)
      tpu.yield
    }) : () -> ()
    return
  }
}

module attributes {stable_mosaic.version = 14 : i64} {
  func.func @_tc_body(%arg0: i32, %arg1: memref<808x1024xf32, #tpu.memory_space<vmem>>, %arg2: memref<1x1024xi32, #tpu.memory_space<vmem>>, %arg3: memref<1x1xf32, #tpu.memory_space<vmem>>) attributes {dimension_semantics = [#tpu.dimension_semantics<arbitrary>], iteration_bounds = array<i64: 16>, scalar_prefetch = 0 : i64, scratch_operands = 0 : i64, tpu.core_type = #tpu.core_type<tc>, window_params = [{transform_indices = @transform_0, window_bounds = array<i64: 808, 1024>}, {transform_indices = @transform_1, window_bounds = array<i64: 1, 1024>}, {pipeline_mode = #tpu.pipeline_mode<synchronous>, transform_indices = @transform_2, window_bounds = array<i64: 1, 1>}]} {
    %eq3A = arith.constant 0 : i32
    %eq3A_0 = arith.cmpi eq, %arg0, %eq3A : i32
    %convert_element_type3A = arith.extui %eq3A_0 : i1 to i32
    %cond3A = arith.constant 0 : i32
    %cond3A_1 = arith.cmpi ne, %convert_element_type3A, %cond3A : i32
    scf.if %cond3A_1 {
      %broadcast_in_dim3A_41 = arith.constant 0.000000e+00 : f32
      %broadcast_in_dim3A_42 = vector.broadcast %broadcast_in_dim3A_41 : f32 to vector<1x1xf32>
      %swap3A_43 = arith.constant 0 : index
      %swap3A_44 = arith.constant 0 : index
      %swap3A_45 = vector.load %arg3[%swap3A_43, %swap3A_44] : memref<1x1xf32, #tpu.memory_space<vmem>>, vector<1x1xf32>
      tpu.vector_store %arg3[%swap3A_43, %swap3A_44], %broadcast_in_dim3A_42 {strides = array<i32>} : memref<1x1xf32, #tpu.memory_space<vmem>>, vector<1x1xf32>,
    } else {
    }
    %get3A = arith.constant 0 : index
    %get3A_2 = arith.constant 0 : index
    %get3A_3 = vector.load %arg1[%get3A, %get3A_2] : memref<808x1024xf32, #tpu.memory_space<vmem>>, vector<808x1024xf32>
    %get3A_4 = arith.constant 0 : index
    %get3A_5 = arith.constant 0 : index
    %get3A_6 = vector.load %arg2[%get3A_4, %get3A_5] : memref<1x1024xi32, #tpu.memory_space<vmem>>, vector<1x1024xi32>
    %ne3A = arith.constant 0 : i32
    %ne3A_7 = vector.broadcast %ne3A : i32 to vector<1x1024xi32>
    %ne3A_8 = arith.cmpi ne, %get3A_6, %ne3A_7 : vector<1x1024xi32>
    %reduce_sum3A = arith.constant dense<0.000000e+00> : vector<1024xf32>
    %reduce_sum3A_9 = vector.multi_reduction <add>, %get3A_3, %reduce_sum3A [0] : vector<808x1024xf32> to vector<1024xf32>
    %broadcast_in_dim3A = vector.shape_cast %reduce_sum3A_9 : vector<1024xf32> to vector<1x1024xf32>
    %slice3A = vector.extract_strided_slice %get3A_3 {offsets = [0, 0], sizes = [1, 1024], strides = [1, 1]} : vector<808x1024xf32> to vector<1x1024xf32>
    %iota3A = tpu.iota {dimensions = array<i32: 0>} : vector<808x1024xi32>
    %eq3A_10 = vector.broadcast %get3A_6 : vector<1x1024xi32> to vector<808x1024xi32>
    %eq3A_11 = arith.cmpi eq, %iota3A, %eq3A_10 : vector<808x1024xi32>
    %jit3A = arith.constant 0.000000e+00 : f32
    %broadcast_in_dim3A_12 = vector.broadcast %jit3A : f32 to vector<808x1024xf32>
    %select_n3A = arith.select %eq3A_11, %get3A_3, %broadcast_in_dim3A_12 : vector<808x1024xi1>, vector<808x1024xf32>
    %reduce_sum3A_13 = arith.constant dense<0.000000e+00> : vector<1024xf32>
    %reduce_sum3A_14 = vector.multi_reduction <add>, %select_n3A, %reduce_sum3A_13 [0] : vector<808x1024xf32> to vector<1024xf32>
    %broadcast_in_dim3A_15 = vector.shape_cast %reduce_sum3A_14 : vector<1024xf32> to vector<1x1024xf32>
    %mul3A = arith.constant 1.00200399E-4 : f32
    %mul3A_16 = vector.broadcast %mul3A : f32 to vector<1x1024xf32>
    %mul3A_17 = arith.mulf %mul3A_16, %broadcast_in_dim3A : vector<1x1024xf32>
    %sub3A = arith.constant -1.01565826 : f32
    %sub3A_18 = vector.broadcast %sub3A : f32 to vector<1x1024xf32>
    %sub3A_19 = arith.subf %sub3A_18, %mul3A_17 : vector<1x1024xf32>
    %mul3A_20 = arith.constant 1.00200399E-4 : f32
    %mul3A_21 = vector.broadcast %mul3A_20 : f32 to vector<1x1024xf32>
    %mul3A_22 = arith.mulf %mul3A_21, %slice3A : vector<1x1024xf32>
    %add3A = arith.addf %sub3A_19, %mul3A_22 : vector<1x1024xf32>
    %mul3A_23 = arith.constant 0.89989978 : f32
    %mul3A_24 = vector.broadcast %mul3A_23 : f32 to vector<1x1024xf32>
    %mul3A_25 = arith.mulf %mul3A_24, %broadcast_in_dim3A_15 : vector<1x1024xf32>
    %sub3A_26 = arith.subf %add3A, %mul3A_25 : vector<1x1024xf32>
    %get3A_27 = arith.constant 0 : index
    %get3A_28 = arith.constant 0 : index
    %get3A_29 = vector.load %arg3[%get3A_27, %get3A_28] : memref<1x1xf32, #tpu.memory_space<vmem>>, vector<1x1xf32>
    %jit3A_30 = arith.constant 0.000000e+00 : f32
    %broadcast_in_dim3A_31 = vector.broadcast %jit3A_30 : f32 to vector<1x1024xf32>
    %select_n3A_32 = arith.select %ne3A_8, %sub3A_26, %broadcast_in_dim3A_31 : vector<1x1024xi1>, vector<1x1024xf32>
    %reduce_sum3A_33 = vector.shape_cast %select_n3A_32 : vector<1x1024xf32> to vector<1x1x1024xf32>
    %reduce_sum3A_34 = arith.constant dense<0.000000e+00> : vector<1xf32>
    %reduce_sum3A_35 = vector.multi_reduction <add>, %reduce_sum3A_33, %reduce_sum3A_34 [1, 2] : vector<1x1x1024xf32> to vector<1xf32>
    %reduce_sum3A_36 = vector.shape_cast %reduce_sum3A_35 : vector<1xf32> to vector<1x1x1xf32>
    %reduce_sum3A_37 = vector.extract %reduce_sum3A_36[0, 0, 0] : f32 from vector<1x1x1xf32>
    %reshape3A = vector.broadcast %reduce_sum3A_37 : f32 to vector<1x1xf32>
    %add3A_38 = arith.addf %get3A_29, %reshape3A : vector<1x1xf32>
    %swap3A = arith.constant 0 : index
    %swap3A_39 = arith.constant 0 : index
    %swap3A_40 = vector.load %arg3[%swap3A, %swap3A_39] : memref<1x1xf32, #tpu.memory_space<vmem>>, vector<1x1xf32>
    tpu.vector_store %arg3[%swap3A, %swap3A_39], %add3A_38 {strides = array<i32>} : memref<1x1xf32, #tpu.memory_space<vmem>>, vector<1x1xf32>,
    return
  }
  func.func @transform_0(%arg0: i32) -> (i32, i32) {
    %c0_i32 = arith.constant 0 : i32
    %c0_i32_0 = arith.constant 0 : i32
    return %c0_i32, %arg0 : i32, i32
  }
  func.func @transform_1(%arg0: i32) -> (i32, i32) {
    %c0_i32 = arith.constant 0 : i32
    %c0_i32_0 = arith.constant 0 : i32
    return %c0_i32, %arg0 : i32, i32
  }
  func.func @transform_2(%arg0: i32) -> (i32, i32) {
    %c0_i32 = arith.constant 0 : i32
    %c0_i32_0 = arith.constant 0 : i32
    %c0_i32_1 = arith.constant 0 : i32
    return %c0_i32, %c0_i32_0 : i32, i32
  }
}

</mosaic_0001>

<sc_bundles>
// kernel: kernel.4.cloned.1.call-start
scs
__scs_entry_jumppad:
0x0: {  	(pc) =	sbr.rel $0x88, $3  }
0x1: {  	(tag) =	ssettag $0x0;
	lr =	simm.s32 $0x1  }
0x2: {  	[smem:$0x3F9F] =	sst lr;
	_ =	strace $0xD0000000  }
0x3: {  	_ = 	snop  }
0x4: {  	_ = 	snop  }
0x5: {  	_ = 	snop  }
0x6: {  	_ = 	snop  }
0x7: {  	_ = 	snop  }
__scs_overlays_trampoline_lowered:
0x8: {  	[smem:$0x3FAE] =	sst s0  }
0x9: {  	[smem:$0x3FAF] =	sst s1  }
0xa: {  	[smem:$0x3FB0] =	sst s2  }
0xb: {  	[smem:$0x3FB1] =	sst s3  }
0xc: {  	[smem:$0x3FB2] =	sst s4  }
0xd: {  	[smem:$0x3FB3] =	sst s5  }
0xe: {  	[smem:$0x3FB4] =	sst s6  }
0xf: {  	[smem:$0x3FB5] =	sst s7  }
0x10: {  	[smem:$0x3FB6] =	sst s8  }
0x11: {  	[smem:$0x3FB7] =	sst s9;
	s0 =	simm.s32 @!p0 $0x0  }
0x12: {  	s1 =	sld [smem:$0x3F9D];
	s0 =	simm.s32 @p0 $0x1  }
0x13: {  	[smem:$0x3FB8] =	sst s0;
	s0 =	simm.s32 @!p1 $0x0  }
0x14: {  	s2 =	sld [smem:$0x3F9C];
	s0 =	simm.s32 @p1 $0x1  }
0x15: {  	[smem:$0x3FB9] =	sst s0;
	s0 =	simm.s32 @!p2 $0x0  }
0x16: {  	s3 =	sld [smem:$0x3FDB];
	s0 =	simm.s32 @p2 $0x1  }
0x17: {  	s4 =	simm.s32 $0x1BF5;
	[smem:$0x3FBB] =	sst s0  }
0x18: {  	s0 =	sld [smem:$0x3F9E];
	_ =	swait.ge [sflag:s4], $0x0  }
0x19: {  	s7 =	sld [smem:$0x3F9F]  }
0x1a: {  	s8 =	sadd.s32 $0xFFFFE003, lr  }
0x1b: {  	s9 =	sadd.s32 $0xFFFFFEF7, lr;
	s5 =	simm.s32 $0xFFFFFFFF;
	p2 =	slt.u32 s8, $0xFFFFF086  }
0x1c: {  	p1 =	slt.u32 s9, $0xF7A;
	s5 =	simm.s32 @!p2 $0x0  }
0x1d: {  	s5 =	simm.s32 @p1 $0x1;
	p0 =	seq.s32 s7, s2  }
0x1e: {  	s7 =	smul.u32 @!p0 $0xF7A, s2;
	p2 =	seq.s32 @!p0 s5, $0x0  }
0x1f: {  	s9 =	smul.u32 $0xF7A, s1;
	s8 =	simm.s32 @!p0 $0x1BF5;
	p2 =	por !p2, p0  }
0x20: {  	[sflag:s8] =	ssyncset.s32 @!p0 $0xFFFFF086;
	s6 =	sadd.s32 @!p0 s3, s7;
	s7 =	simm.s32 @!p0 $0x108  }
0x21: {  	s3 =	sadd.s32 s3, s9;
	s6 =	sadd.s32 @!p0 $0x88, s6;
	s7 =	simm.s32 @p2 $0x1082  }
0x22: {  	[simem:s7], [sflag:s8] =	dma.local @!p0 [hbm:s6], $0xF7A  }
0x23: {  	s9 =	sor.u32 $0xD0000000, s2;
	s6 =	simm.s32 $0x108;
	_ =	swait.ge @!p0 [sflag:s8], $0x0  }
0x24: {  	s3 =	sadd.s32 $0x88, s3;
	s6 =	simm.s32 @!p1 $0x1082;
	[sflag:s4] =	ssyncset.s32 $0xFFFFF086  }
0x25: {  	[simem:s6], [sflag:s4] =	dma.local [hbm:s3], $0xF7A  }
0x26: {  	[smem:$0x3F9F] =	sst s1;
	(tag) =	ssettag s2;
	_ =	strace s9  }
0x27: {  	s1 =	sld [smem:$0x3FAF]  }
0x28: {  	s2 =	sld [smem:$0x3FB0]  }
0x29: {  	s4 =	sld [smem:$0x3FB2]  }
0x2a: {  	p0 =	seq.s32 s5, $0x0;
	s5 =	sld [smem:$0x3FB3]  }
0x2b: {  	s6 =	sld [smem:$0x3FB4]  }
0x2c: {  	s7 =	sld [smem:$0x3FB5]  }
0x2d: {  	s3 =	simm.s32 $0x108;
	s8 =	sld [smem:$0x3FB6]  }
0x2e: {  	s3 =	simm.s32 @!p0 $0x1082;
	s9 =	sld [smem:$0x3FB7]  }
0x2f: {  	lr =	sadd.s32 s0, s3;
	s0 =	sld [smem:$0x3FAE]  }
0x30: {  	s3 =	sld [smem:$0x3FB1]  }
0x31: {  	[smem:$0x3FBA] =	sst s10  }
0x32: {  	s10 =	sld [smem:$0x3FB8];
	_ =	sdelay $0x3  }
0x33: {  	p0 =	seq.s32 s10, $0x1;
	s10 =	sld [smem:$0x3FBA];
	_ =	sdelay $0x3  }
0x34: {  	[smem:$0x3FBA] =	sst s10  }
0x35: {  	s10 =	sld [smem:$0x3FB9];
	_ =	sdelay $0x3  }
0x36: {  	p1 =	seq.s32 s10, $0x1;
	s10 =	sld [smem:$0x3FBA];
	_ =	sdelay $0x3  }
0x37: {  	[smem:$0x3FBA] =	sst s10  }
0x38: {  	s10 =	sld [smem:$0x3FBB]  }
0x39: {  	_ = 	snop;
	(pc) =	sbr.ind lr, $3  }
0x3a: {  	_ = 	snop  }
0x3b: {  	_ = 	snop  }
0x3c: {  	p2 =	seq.s32 s10, $0x1;
	s10 =	sld [smem:$0x3FBA]  }
0x3d: {  	_ =	shalt  }
0x3e: {  	_ =	shalt  }
0x3f: {  	_ =	shalt  }
0x40: {  	_ =	shalt  }
0x41: {  	_ =	shalt  }
0x42: {  	_ =	shalt  }
0x43: {  	_ =	shalt  }
0x44: {  	_ =	shalt  }
0x45: {  	_ =	shalt  }
0x46: {  	_ =	shalt  }
0x47: {  	_ =	shalt  }
0x48: {  	_ =	shalt  }
0x49: {  	_ =	shalt  }
0x4a: {  	_ =	shalt  }
0x4b: {  	_ =	shalt  }
0x4c: {  	_ =	shalt  }
0x4d: {  	_ =	shalt  }
0x4e: {  	_ =	shalt  }
0x4f: {  	_ =	shalt  }
0x50: {  	_ =	shalt  }
0x51: {  	_ =	shalt  }
0x52: {  	_ =	shalt  }
0x53: {  	_ =	shalt  }
0x54: {  	_ =	shalt  }
0x55: {  	_ =	shalt  }
0x56: {  	_ =	shalt  }
0x57: {  	_ =	shalt  }
0x58: {  	_ =	shalt  }
0x59: {  	_ =	shalt  }
0x5a: {  	_ =	shalt  }
0x5b: {  	_ =	shalt  }
0x5c: {  	_ =	shalt  }
0x5d: {  	_ =	shalt  }
0x5e: {  	_ =	shalt  }
0x5f: {  	_ =	shalt  }
0x60: {  	_ =	shalt  }
0x61: {  	_ =	shalt  }
0x62: {  	_ =	shalt  }
0x63: {  	_ =	shalt  }
0x64: {  	_ =	shalt  }
0x65: {  	_ =	shalt  }
0x66: {  	_ =	shalt  }
0x67: {  	_ =	shalt  }
0x68: {  	_ =	shalt  }
0x69: {  	_ =	shalt  }
0x6a: {  	_ =	shalt  }
0x6b: {  	_ =	shalt  }
0x6c: {  	_ =	shalt  }
0x6d: {  	_ =	shalt  }
0x6e: {  	_ =	shalt  }
0x6f: {  	_ =	shalt  }
0x70: {  	_ =	shalt  }
0x71: {  	_ =	shalt  }
0x72: {  	_ =	shalt  }
0x73: {  	_ =	shalt  }
0x74: {  	_ =	shalt  }
0x75: {  	_ =	shalt  }
0x76: {  	_ =	shalt  }
0x77: {  	_ =	shalt  }
0x78: {  	_ =	shalt  }
0x79: {  	_ =	shalt  }
0x7a: {  	_ =	shalt  }
0x7b: {  	_ =	shalt  }
0x7c: {  	_ =	shalt  }
0x7d: {  	_ =	shalt  }
0x7e: {  	_ =	shalt  }
0x7f: {  	_ =	shalt  }
0x80: {  	_ =	shalt  }
0x81: {  	_ =	shalt  }
0x82: {  	_ =	shalt  }
0x83: {  	_ =	shalt  }
0x84: {  	_ =	shalt  }
0x85: {  	_ =	shalt  }
0x86: {  	_ =	shalt  }
0x87: {  	_ =	shalt  }
.Lfunc_end0:
.L_simem_size_0:
called_computation_lowered:
.L_overlay_start_0:
0x88: {  	s2 =	sld [smem:$0x3FD9]  }
0x89: {  	s3 =	sld [smem:$0x3FFE];
	_ =	sdelay $0x1  }
0x8a: {  	s1 =	srdreg.scid  }
0x8b: {  	s0 =	sand.u32 $0x1, s1  }
0x8c: {  	s17 =	sshll.u32 s0, $0xA;
	s2 =	sadd.s32 s3, s2  }
0x8d: {  	s2 =	sadd.s32 s2, s17  }
0x8e: {  	[smem:$0x3FC6] =	sst s2  }
0x8f: {  	_ = 	snop  }
0x90: {  	s2 =	sld [smem:$0x3FC9]  }
0x91: {  	s18 =	sld [smem:$0x3FC8];
	(tm) =	ssettm $0x1  }
0x92: {  	s4 =	sld [smem:$0x3FFB];
	_ =	sdelay $0x3  }
0x93: {  	_ =	strace s4  }
0x94: {  	s4 =	sld [smem:$0x3FFC];
	_ =	sdelay $0x3  }
0x95: {  	_ =	strace s4  }
0x96: {  	s4 =	sld [smem:$0x3FFD];
	_ =	sdelay $0x3  }
0x97: {  	_ =	strace s4  }
0x98: {  	_ =	strace $0x8FFFFFFF  }
0x99: {  	s19 =	sld [smem:$0x3FDB];
	_ =	sdelay $0x1  }
0x9a: {  	s5 =	simm.s32 $_scs_section_size  }
0x9b: {  	s6 =	simm.s32 $_size__tile_overlayer_lowered;
	s7 =	simm.s32 $_tile_overlayer_lowered  }
0x9c: {  	s22 =	simm.s32 $0x1BFF;
	s21 =	sshll.u32 s7, $0x1;
	s4 =	sadd.s32 s5, s19  }
0x9d: {  	s8 =	simm.s32 $0x0;
	s20 =	sshll.u32 s6, $0x1;
	s6 =	sadd.s32 s21, s4  }
0x9e: {  	[timem:s8], [sflag:s22] =	dma.local [hbm:s6], s20  }
0x9f: {  	_ =	swait.ge [sflag:s22], s20  }
0xa0: {  	s5 =	ssub.s32 $0x0, s20;
	[sflag:s22] =	ssyncset.done $0x0  }
0xa1: {  	[sflag:s22] =	ssyncadd.s32 s5;
	_ =	sdelay $0x1  }
0xa2: {  	s23 =	simm.s32 $0x1B8B  }
0xa3: {  	_ =	swait.ge [sflag:s23], $0x1  }
0xa4: {  	[sflag:s23] =	ssyncset.done $0x0  }
0xa5: {  	s25 =	simm.s32 $0x1B8E;
	s24 =	sld [smem:$0x3FFE];
	[sflag:s23] =	ssyncadd.s32 $0xFFFFFFFF  }
0xa6: {  	s26 =	simm.s32 $execute0_lowered;
	[smem:$0x3FD2] =	sst s25  }
0xa7: {  	s6 =	sshll.u32 s26, $0x1;
	_ =	strace $0x80000046;
	[dreg:$0x1] =	wrdreg $0xFFFFFFFF  }
0xa8: {  	s28 =	simm.s32 $_size_execute0_lowered;
	s4 =	sadd.s32 s4, s6;
	[dreg:$0x0] =	wrdreg $0x0  }
0xa9: {  	s6 =	sshll.u32 s28, $0x1;
	[dreg:$0x2] =	wrdreg s4  }
0xaa: {  	[dreg:$0x3] =	wrdreg s6  }
0xab: {  	[dreg:$0x4] =	wrdreg $0xC0  }
0xac: {  	_ =	task [dreg:s8], $0x5FFFF  }
0xad: {  	[dreg:$0x1] =	wrdreg $0xFFFFFFFF  }
0xae: {  	[dreg:$0x0] =	wrdreg $0x60  }
0xaf: {  	[dreg:$0x2] =	wrdreg s2  }
0xb0: {  	[dreg:$0x3] =	wrdreg s18  }
0xb1: {  	[dreg:$0x4] =	wrdreg s24  }
0xb2: {  	[dreg:$0x5] =	wrdreg $0x9  }
0xb3: {  	_ =	task.clear_ibuf [dreg:s8], $0x6FFFF;
	_ =	strace $0x90000046  }
0xb4: {  	s29 =	simm.s32 $0x9;
	_ =	strace $0x80000048  }
0xb5: {  	_ =	swait.ge [sflag:s29], $0x1  }
0xb6: {  	[sflag:s29] =	ssyncadd.s32 $0xFFFFFFFF  }
0xb7: {  	_ =	strace $0x90000048  }
0xb8: {  	_ =	sfence  }
0xb9: {  	s30 =	sld [smem:$0x0];
	_ =	sdelay $0x2  }
0xba: {  	s31 =	sshll.u32 s1, $0xD;
	s1 =	sshrl.u32 s1, $0x2  }
0xbb: {  	s3 =	sand.u32 $0x4000, s31;
	s1 =	sadd.s32 s1, s30  }
0xbc: {  	s0 =	sor.u32 s3, s0;
	s1 =	sshll.u32 s1, $0x11  }
0xbd: {  	s0 =	sor.u32 s1, s0  }
0xbe: {  	s0 =	sadd.s32 $0x8F2B, s0  }
0xbf: {  	[sflag:s0] =	ssyncadd.remote.s32 $0x1  }
0xc0: {  	_ =	sfence.sel $0xFFFF  }
0xc1: {  	[dreg:$0x0] =	wrdreg $0xFFFFFFFF;
	(pc) =	sbr.abs _section_cstart, $3  }
0xc2: {  	[dreg:$0x1] =	wrdreg $0xFFFFFFFF  }
0xc3: {  	_ =	task.clear_ibuf [dreg:s8], $0x2FFFF;
	_ =	strace $0x9FFFFFFF  }
0xc4: {  	(tm) =	ssettm $0x7FFFFFFF  }
0xc5: {  	_ =	shalt  }
tec
execute0_lowered:
.L_overlay_start_1:
0x0: {  	(tag) =	ssettag $0x1  }
0x1: {  	s5 =	rddreg [dreg:$0x0]  }
0x2: {  	s2 =	rddreg [dreg:$0x1]  }
0x3: {  	s6 =	rddreg [dreg:$0x2]  }
0x4: {  	s0 =	rddreg [dreg:$0x3]  }
0x5: {  	s4 =	srdreg.scid;
	s1 =	stileid.u32  }
0x6: {  	s3 =	simm.s32 $0x0;
	s14 =	simm.s32 $0x2;
	s15 =	simm.s32 $0xC000  }
0x7: {  	s16 =	simm.s32 $0x14100;
	s17 =	simm.s32 $0x0;
	s10 =	sand.u32 $0x1, s4  }
0x8: {  	s26 =	sshll.u32 s1, $0x1;
	[smem:$0x7FF] =	sst s3;
	s11 =	sshll.u32 s1, $0xD  }
0x9: {  	s4 =	sor.u32 s10, s26;
	_ =	strace $0x80000047;
	s28 =	ssub.s32 $0x2, s10  }
0xa: {  	s31 =	sand.u32 $0x1C000, s11;
	s10 =	sshll.u32 s10, $0xC;
	s7 =	sshll.u32 s4, $0x1  }
0xb: {  	s8 =	sshll.u32 s4, $0xC;
	s30 =	sshrl.u32 s28, $0x1;
	s13 =	sand.u32 $0x3, s4  }
.Ltmp0:
0xc: {  	s10 =	sor.u32 s10, s11;
	s11 =	simm.s32 $0x3;
	(pc) =	sbr.rel .LBB2_1-.Ltmp0, $4  }
0xd: {  	s9 =	sadd.s32 s7, s6;
	s29 =	sand.u32 $0x3000, s8;
	s12 =	ssub.s32 s28, s30  }
0xe: {  	s7 =	sshll.u32 s13, $0xC;
	p0 =	sne.s32 s13, $0x0;
	s5 =	sadd.s32 s29, s5  }
0xf: {  	s13 =	simm.s32 $0x1;
	s8 =	sadd.s32 $0x200, s9;
	s5 =	sadd.s32 $0x194000, s5  }
0x10: {  	v0 =	vimm.f32 $0.0e+00;
	v1 =	vlaneseq.u32;
	s9 =	smax.u32 s12, $0x1;
	s12 =	simm.s32 $0x4000;
	s6 =	sadd.s32 s31, s5  }
.LBB2_11:
0x11: {  	v2 =	vld [tilespmem:$0x14000]  }
0x12: {  	v3 =	vld [tilespmem:$0x14080];
	_ =	sdelay $0x4  }
0x13: {  	v2 =	vmul.f32 $-1.002003990e-04, v2;
	v3 =	vmul.f32 $-8.998997800e-01, v3;
	_ =	sdelay $0x1  }
0x14: {  	s17 =	sadd.s32 $0x1, s17;
	v2 =	vadd.f32 v3, v2  }
0x15: {  	p1 =	sne.s32 s17, s9  }
.Ltmp1:
0x16: {  	[tilespmem:$0x14100] =	vst v2;
	(pc) =	sbr.rel @!p1 .LBB2_12-.Ltmp1, $4  }
0x17: {  	[hbm4b:s8+s3] =	stream.linear.scatter [tilespmem:s16], [sflag:$0x3], $0x10, $0x38;
	[tilespmem:$0x14180] =	vst v63  }
0x18: {  	_ =	swait.ge [sflag:s11], $0x10  }
0x19: {  	[sflag:s11] =	ssyncset.done $0x0  }
0x1a: {  	[sflag:s11] =	ssyncadd.s32 $0xFFFFFFF0  }
.LBB2_1:
0x1b: {  	[tilespmem:s3], [sflag:$0x3] =	stream.linear.gather [hbm4b:s2+s3], $0x4000, $0x38;
	[tilespmem:$0x14180] =	vst v63  }
0x1c: {  	_ =	swait.ge [sflag:s11], $0x4000  }
.Ltmp2:
0x1d: {  	[sflag:s11] =	ssyncset.done $0x0;
	(pc) =	sbr.rel .LBB2_2-.Ltmp2, $4  }
0x1e: {  	[sflag:s11] =	ssyncadd.s32 $0xFFFFC000  }
0x1f: {  	[tilespmem:$0x14000] =	vst v0  }
0x20: {  	s18 =	simm.s32 $0x0;
	[tilespmem:$0x14080] =	vst v0  }
0x21: {  	[tilespmem:s12], [sflag:$0x1] =	stream.linear.gather [hbm4b:s6+s3], $0x8000, $0x38;
	[tilespmem:$0x14180] =	vst v63  }
.LBB2_10:
0x22: {  	p1 =	sne.s32 s18, $0x3  }
.Ltmp3:
0x23: {  	_ = 	snop;
	(pc) =	sbr.rel @!p1 .LBB2_11-.Ltmp3, $1  }
0x24: {  	_ =	sdelay $0x3  }
.LBB2_2:
0x25: {  	s19 =	sshll.u32 s18, $0x5  }
0x26: {  	s20 =	sand.u32 $0x1, s18;
	p1 =	seq.s32 s18, $0x2;
	s18 =	sadd.s32 $0x1, s18  }
0x27: {  	s21 =	sand.u32 $0x1, s18  }
0x28: {  	s19 =	sor.u32 s4, s19;
	p2 =	seq.s32 s21, $0x1  }
0x29: {  	s21 =	sadd.s32 $0x20, s19;
	p1 =	por !p2, p1  }
0x2a: {  	s22 =	sshll.u32 @!p1 s21, $0xC  }
0x2b: {  	s22 =	sand.u32 @!p1 $0xFFFC000, s22  }
0x2c: {  	s23 =	simm.s32 @!p1 $0x0;
	s24 =	simm.s32 @!p1 $0xC000;
	s22 =	sadd.s32 @!p1 s22, s5  }
0x2d: {  	[tilespmem:s24], [sflag:$0x2] =	stream.linear.gather @!p1 [hbm4b:s22+s23], $0x8000, $0x38;
	[tilespmem:$0x14180] =	vst v63  }
0x2e: {  	p1 =	seq.s32 s20, $0x0  }
0x2f: {  	s21 =	sshll.u32 @!p1 s21, $0xC  }
0x30: {  	s21 =	sand.u32 @!p1 $0xFFDC000, s21  }
0x31: {  	s22 =	simm.s32 @!p1 $0x0;
	s23 =	simm.s32 @!p1 $0x4000;
	s21 =	sadd.s32 @!p1 s21, s5  }
0x32: {  	[tilespmem:s23], [sflag:$0x1] =	stream.linear.gather @!p1 [hbm4b:s21+s22], $0x8000, $0x38;
	[tilespmem:$0x14180] =	vst v63  }
0x33: {  	p1 =	sne.s32 s20, $0x0  }
.Ltmp4:
0x34: {  	_ = 	snop;
	(pc) =	sbr.rel @p1 .LBB2_6-.Ltmp4, $1  }
0x35: {  	_ =	sdelay $0x3  }
0x36: {  	s21 =	simm.s32 $0x0  }
0x37: {  	_ =	swait.ge [sflag:s13], $0x8000;
	s22 =	sand.u32 $0xF80, s21  }
0x38: {  	[sflag:s13] =	ssyncset.done $0x0;
	s23 =	sand.u32 $0x70, s21;
	s22 =	sadd.s32 s22, s7  }
0x39: {  	s24 =	sand.u32 $0x7C00, s21;
	[sflag:s13] =	ssyncadd.s32 $0xFFFF8000;
	s22 =	sadd.s32 s23, s22  }
0x3a: {  	p1 =	seq.s32 s19, $0x0;
	s29 =	sor.u32 s23, s24;
	v2 =	vld [tilespmem:s22+$0x0]  }
0x3b: {  	p1 =	por !p0, !p1;
	v3 =	vld [tilespmem:s29+$0x4000]  }
0x3c: {  	p1 =	por !p1, !p1;
	v4 =	vld [tilespmem:$0x14000];
	s22 =	simm.s32 $0x1  }
0x3d: {  	s30 =	sshrl.u32 s19, $0x2;
	v5 =	vld [tilespmem:s29+$0x4080];
	s22 =	simm.s32 @!p1 $0x0  }
0x3e: {  	s22 =	ssub.s32 s22, s30  }
0x3f: {  	v6 =	vld [tilespmem:s29+$0x4100];
	s22 =	sshll.u32 s22, $0x3;
	vm1 =	veq.s32 v2, $0x0  }
0x40: {  	v8 =	vmov s21;
	s22 =	sadd.s32 $0xFFFFFCD8, s22;
	v7 =	vsel vm1, $0x0, v3  }
0x41: {  	v9 =	vor.u32 s21, v1;
	v3 =	vmov s22;
	v4 =	vadd.f32 v7, v4  }
0x42: {  	v8 =	vshll.u32 v8, $0x3;
	v5 =	vsel vm1, $0x0, v5;
	v10 =	vadd.s32 v3, v2  }
0x43: {  	vm0 =	vlt.u32 v10, $0x8;
	v4 =	vadd.f32 v5, v4;
	v5 =	vshll.u32 v10, $0x7  }
0x44: {  	v8 =	vand.u32 $0x7C00, v8;
	v7 =	vld [tilespmem:s29+$0x4180];
	v10 =	vsel vm1, $0x0, v6;
	v5 =	vnsel vm0, $0x0, v5  }
0x45: {  	v10 =	vadd.f32 v10, v4;
	v4 =	vand.u32 $0x7F, v9;
	v8 =	vadd.s32 v8, v5  }
0x46: {  	v6 =	vld [tilespmem:s29+$0x4200];
	v4 =	vor.u32 v4, v8  }
0x47: {  	s31 =	sand.u32 $0x7, s21  }
0x48: {  	s28 =	sshll.u32 s31, $0x4;
	v5 =	vld [tilespmem:s29+$0x4280]  }
0x49: {  	s24 =	simm.s32 $0x20;
	s23 =	simm.s32 $0x10;
	s28 =	sadd.s32 $0x0, s28;
	v2 =	vld [tilespmem:$0x14080];
	v7 =	vsel vm1, $0x0, v7  }
0x4a: {  	s25 =	sand.u32 $0x70, s23;
	s26 =	sand.u32 $0xF80, s23;
	s22 =	simm.s32 $0x80;
	v8 =	vadd.f32 v7, v10;
	v7 =	vld [tilespmem:s29+$0x4300]  }
.LBB2_4:
0x4b: {  	p1 =	sne.s32 s24, $0xFF0;
	s26 =	sadd.s32 s26, s7;
	v6 =	vsel vm1, $0x0, v6;
	s28 =	sor.u32 $0x380, s28;
	v4 =	vld.idx.msk [tilespmem:v4+s12+$0x0], $0xffff  }
0x4c: {  	s29 =	sand.u32 $0x7C00, s22;
	s26 =	sadd.s32 s25, s26;
	v6 =	vadd.f32 v6, v8;
	v8 =	vld [tilespmem:s28+$0x4000];
	s28 =	smov.u32 s22  }
0x4d: {  	s29 =	sor.u32 s25, s29;
	v9 =	vld [tilespmem:s26+$0x0];
	v5 =	vsel vm1, $0x0, v5  }
0x4e: {  	v10 =	vld [tilespmem:s29+$0x4000];
	v5 =	vadd.f32 v5, v6  }
0x4f: {  	v6 =	vmov s23;
	v7 =	vsel vm1, $0x0, v7  }
0x50: {  	v12 =	vor.u32 s23, v1;
	s23 =	smov.u32 s24;
	v6 =	vshll.u32 v6, $0x3;
	v11 =	vld [tilespmem:s29+$0x4080];
	v5 =	vadd.f32 v7, v5  }
0x51: {  	v6 =	vand.u32 $0x7C00, v6;
	v4 =	vnsel vm0, $0x0, v4;
	v7 =	vsel vm1, $0x0, v8  }
0x52: {  	vm1 =	veq.s32 v9, $0x0;
	v8 =	vld [tilespmem:s29+$0x4100];
	v9 =	vadd.s32 v3, v9;
	v5 =	vadd.f32 v7, v5  }
0x53: {  	v7 =	vsel vm1, $0x0, v10;
	vm0 =	vlt.u32 v9, $0x8;
	v9 =	vshll.u32 v9, $0x7  }
0x54: {  	v2 =	vadd.f32 v4, v2;
	v5 =	vadd.f32 v7, v5;
	v7 =	vld [tilespmem:s29+$0x4180];
	v9 =	vnsel vm0, $0x0, v9  }
0x55: {  	v10 =	vand.u32 $0x7F, v12;
	v4 =	vsel vm1, $0x0, v11;
	v9 =	vadd.s32 v6, v9  }
.Ltmp5:
0x56: {  	v5 =	vadd.f32 v4, v5;
	v6 =	vld [tilespmem:s29+$0x4200];
	v4 =	vor.u32 v10, v9;
	(pc) =	sbr.rel @p1 .LBB2_4-.Ltmp5, $4  }
0x57: {  	s21 =	sadd.s32 $0x1, s21;
	v8 =	vsel vm1, $0x0, v8  }
0x58: {  	s26 =	sand.u32 $0x7, s21;
	v8 =	vadd.f32 v8, v5;
	v5 =	vld [tilespmem:s29+$0x4280]  }
0x59: {  	s25 =	sand.u32 $0x70, s24;
	s22 =	sadd.s32 $0x80, s22;
	s30 =	sshll.u32 s26, $0x4;
	v7 =	vsel vm1, $0x0, v7  }
0x5a: {  	s24 =	sadd.s32 $0x10, s24;
	s26 =	sand.u32 $0xF80, s23;
	s28 =	sadd.s32 s30, s28;
	v8 =	vadd.f32 v7, v8;
	v7 =	vld [tilespmem:s29+$0x4300]  }
0x5b: {  	s24 =	sadd.s32 s26, s7;
	v6 =	vsel vm1, $0x0, v6;
	s29 =	sor.u32 $0x380, s28  }
0x5c: {  	s30 =	sand.u32 $0x7C00, s22;
	s24 =	sadd.s32 s25, s24;
	v6 =	vadd.f32 v6, v8;
	v48 =	vld [tilespmem:s29+$0x4000]  }
0x5d: {  	s31 =	sor.u32 s25, s30;
	v9 =	vld [tilespmem:s24+$0x0];
	v5 =	vsel vm1, $0x0, v5  }
0x5e: {  	v10 =	vld [tilespmem:s31+$0x4000];
	v5 =	vadd.f32 v5, v6  }
0x5f: {  	v49 =	vsel vm1, $0x0, v7  }
0x60: {  	v53 =	vmov s23;
	v50 =	vld [tilespmem:s31+$0x4080];
	v5 =	vadd.f32 v49, v5  }
0x61: {  	v11 =	vor.u32 s23, v1;
	v6 =	vshll.u32 v53, $0x3;
	v51 =	vsel vm1, $0x0, v48  }
0x62: {  	v52 =	vld [tilespmem:s31+$0x4100];
	vm15 =	veq.s32 v9, $0x0;
	v5 =	vadd.f32 v51, v5;
	v3 =	vadd.s32 v3, v9  }
0x63: {  	v10 =	vsel vm15, $0x0, v10;
	vm2 =	vlt.u32 v3, $0x8;
	v3 =	vshll.u32 v3, $0x7  }
0x64: {  	v54 =	vld [tilespmem:s31+$0x4180];
	v6 =	vand.u32 $0x7C00, v6;
	v5 =	vadd.f32 v10, v5;
	v3 =	vnsel vm2, $0x0, v3  }
0x65: {  	v56 =	vand.u32 $0x7F, v11;
	v7 =	vsel vm15, $0x0, v50;
	v3 =	vadd.s32 v6, v3  }
0x66: {  	v55 =	vld [tilespmem:s31+$0x4200];
	v5 =	vadd.f32 v7, v5;
	v3 =	vor.u32 v56, v3  }
0x67: {  	s21 =	sadd.s32 $0x1, s21;
	v57 =	vsel vm15, $0x0, v52  }
0x68: {  	s21 =	sand.u32 $0x7, s21;
	v58 =	vld [tilespmem:s31+$0x4280];
	v5 =	vadd.f32 v57, v5  }
0x69: {  	v4 =	vld.idx.msk [tilespmem:v4+s12+$0x0], $0xffff;
	s21 =	sshll.u32 s21, $0x4;
	v59 =	vsel vm15, $0x0, v54  }
0x6a: {  	v60 =	vld [tilespmem:s31+$0x4300];
	s21 =	sadd.s32 s21, s22;
	v5 =	vadd.f32 v59, v5  }
0x6b: {  	s21 =	sor.u32 $0x380, s21;
	v7 =	vsel vm15, $0x0, v55;
	v3 =	vld.idx.msk [tilespmem:v3+s12+$0x0], $0xffff  }
0x6c: {  	v61 =	vld [tilespmem:s21+$0x4000];
	v5 =	vadd.f32 v7, v5  }
0x6d: {  	v6 =	vsel vm15, $0x0, v58  }
0x6e: {  	v4 =	vnsel vm0, $0x0, v4;
	v5 =	vadd.f32 v6, v5  }
0x6f: {  	v2 =	vadd.f32 v4, v2;
	v62 =	vsel vm15, $0x0, v60  }
0x70: {  	v5 =	vadd.f32 v62, v5;
	v3 =	vnsel vm2, $0x0, v3  }
0x71: {  	v63 =	vsel vm15, $0x0, v61;
	v2 =	vadd.f32 v3, v2  }
0x72: {  	v4 =	vadd.f32 v63, v5  }
0x73: {  	[tilespmem:$0x14080] =	vst v2  }
0x74: {  	[tilespmem:$0x14000] =	vst v4  }
.LBB2_6:
0x75: {  	p1 =	seq.s32 s20, $0x1  }
.Ltmp6:
0x76: {  	_ = 	snop;
	(pc) =	sbr.rel @!p1 .LBB2_10-.Ltmp6, $1  }
0x77: {  	_ =	sdelay $0x3  }
0x78: {  	_ =	swait.ge [sflag:s14], $0x8000;
	s20 =	simm.s32 $0x0;
	s21 =	sadd.s32 $0x0, s10  }
0x79: {  	[sflag:s14] =	ssyncset.done $0x0;
	s22 =	sand.u32 $0x70, s20;
	s21 =	sand.u32 $0x3F80, s21  }
0x7a: {  	s23 =	sand.u32 $0x7C00, s20;
	[sflag:s14] =	ssyncadd.s32 $0xFFFF8000;
	s21 =	sor.u32 s22, s21  }
0x7b: {  	s26 =	sor.u32 s22, s23;
	v2 =	vld [tilespmem:s21+$0x0]  }
0x7c: {  	v3 =	vld [tilespmem:s26+$0xC000]  }
0x7d: {  	v4 =	vld [tilespmem:$0x14000]  }
0x7e: {  	v5 =	vld [tilespmem:s26+$0xC080]  }
0x7f: {  	s19 =	sshll.u32 s19, $0x1  }
0x80: {  	s19 =	sand.u32 $0xF8, s19;
	v6 =	vld [tilespmem:s26+$0xC100];
	vm1 =	veq.s32 v2, $0x0  }
0x81: {  	v8 =	vmov s20;
	s19 =	ssub.s32 $0xFFFFFCD8, s19;
	v7 =	vsel vm1, $0x0, v3  }
0x82: {  	v9 =	vor.u32 s20, v1;
	v3 =	vmov s19;
	v4 =	vadd.f32 v7, v4  }
0x83: {  	v8 =	vshll.u32 v8, $0x3;
	v5 =	vsel vm1, $0x0, v5;
	v10 =	vadd.s32 v3, v2  }
0x84: {  	vm0 =	vlt.u32 v10, $0x8;
	v4 =	vadd.f32 v5, v4;
	v5 =	vshll.u32 v10, $0x7  }
0x85: {  	v8 =	vand.u32 $0x7C00, v8;
	v7 =	vld [tilespmem:s26+$0xC180];
	v10 =	vsel vm1, $0x0, v6;
	v5 =	vnsel vm0, $0x0, v5  }
0x86: {  	v10 =	vadd.f32 v10, v4;
	v4 =	vand.u32 $0x7F, v9;
	v8 =	vadd.s32 v8, v5  }
0x87: {  	v6 =	vld [tilespmem:s26+$0xC200];
	v4 =	vor.u32 v4, v8;
	_ =	sdelay $0x1  }
0x88: {  	s24 =	sadd.s32 $0x10, s10;
	s31 =	sand.u32 $0x7, s20;
	v5 =	vld [tilespmem:s26+$0xC280]  }
0x89: {  	s25 =	sshll.u32 s31, $0x4;
	s22 =	simm.s32 $0x20;
	s21 =	simm.s32 $0x10;
	v2 =	vld [tilespmem:$0x14080];
	v7 =	vsel vm1, $0x0, v7  }
0x8a: {  	s25 =	sadd.s32 $0x0, s25;
	s23 =	sand.u32 $0x70, s21;
	s19 =	simm.s32 $0x80;
	v8 =	vadd.f32 v7, v10;
	v7 =	vld [tilespmem:s26+$0xC300]  }
.LBB2_8:
0x8b: {  	p1 =	sne.s32 s22, $0xFF0;
	s24 =	sand.u32 $0x3F80, s24;
	v6 =	vsel vm1, $0x0, v6;
	s25 =	sor.u32 $0x380, s25;
	v4 =	vld.idx.msk [tilespmem:v4+s15+$0x0], $0xffff  }
0x8c: {  	s26 =	sand.u32 $0x7C00, s19;
	s24 =	sor.u32 s23, s24;
	v6 =	vadd.f32 v6, v8;
	v8 =	vld [tilespmem:s25+$0xC000];
	s25 =	smov.u32 s19  }
0x8d: {  	s26 =	sor.u32 s23, s26;
	v9 =	vld [tilespmem:s24+$0x0];
	v5 =	vsel vm1, $0x0, v5  }
0x8e: {  	v10 =	vld [tilespmem:s26+$0xC000];
	v5 =	vadd.f32 v5, v6  }
0x8f: {  	v6 =	vmov s21;
	v7 =	vsel vm1, $0x0, v7  }
0x90: {  	v12 =	vor.u32 s21, v1;
	s21 =	smov.u32 s22;
	v6 =	vshll.u32 v6, $0x3;
	v11 =	vld [tilespmem:s26+$0xC080];
	v5 =	vadd.f32 v7, v5  }
0x91: {  	v6 =	vand.u32 $0x7C00, v6;
	v4 =	vnsel vm0, $0x0, v4;
	v7 =	vsel vm1, $0x0, v8  }
0x92: {  	vm1 =	veq.s32 v9, $0x0;
	v8 =	vld [tilespmem:s26+$0xC100];
	v9 =	vadd.s32 v3, v9;
	v5 =	vadd.f32 v7, v5  }
0x93: {  	v7 =	vsel vm1, $0x0, v10;
	vm0 =	vlt.u32 v9, $0x8;
	v9 =	vshll.u32 v9, $0x7  }
0x94: {  	v2 =	vadd.f32 v4, v2;
	v5 =	vadd.f32 v7, v5;
	v7 =	vld [tilespmem:s26+$0xC180];
	v9 =	vnsel vm0, $0x0, v9  }
0x95: {  	v10 =	vand.u32 $0x7F, v12;
	v4 =	vsel vm1, $0x0, v11;
	v9 =	vadd.s32 v6, v9  }
.Ltmp7:
0x96: {  	v5 =	vadd.f32 v4, v5;
	v6 =	vld [tilespmem:s26+$0xC200];
	v4 =	vor.u32 v10, v9;
	(pc) =	sbr.rel @p1 .LBB2_8-.Ltmp7, $4  }
0x97: {  	s20 =	sadd.s32 $0x1, s20;
	v8 =	vsel vm1, $0x0, v8  }
0x98: {  	s24 =	sand.u32 $0x7, s20;
	v8 =	vadd.f32 v8, v5;
	v5 =	vld [tilespmem:s26+$0xC280]  }
0x99: {  	s23 =	sand.u32 $0x70, s22;
	s19 =	sadd.s32 $0x80, s19;
	s28 =	sshll.u32 s24, $0x4;
	v7 =	vsel vm1, $0x0, v7  }
0x9a: {  	s22 =	sadd.s32 $0x10, s22;
	s24 =	sadd.s32 s21, s10;
	s25 =	sadd.s32 s28, s25;
	v8 =	vadd.f32 v7, v8;
	v7 =	vld [tilespmem:s26+$0xC300]  }
0x9b: {  	s22 =	sand.u32 $0x3F80, s24;
	v6 =	vsel vm1, $0x0, v6;
	s28 =	sor.u32 $0x380, s25  }
0x9c: {  	s29 =	sand.u32 $0x7C00, s19;
	s22 =	sor.u32 s23, s22;
	v6 =	vadd.f32 v6, v8;
	v48 =	vld [tilespmem:s28+$0xC000]  }
0x9d: {  	s30 =	sor.u32 s23, s29;
	v9 =	vld [tilespmem:s22+$0x0];
	v5 =	vsel vm1, $0x0, v5  }
0x9e: {  	v10 =	vld [tilespmem:s30+$0xC000];
	v5 =	vadd.f32 v5, v6  }
0x9f: {  	v49 =	vsel vm1, $0x0, v7  }
0xa0: {  	v53 =	vmov s21;
	v50 =	vld [tilespmem:s30+$0xC080];
	v5 =	vadd.f32 v49, v5  }
0xa1: {  	v11 =	vor.u32 s21, v1;
	v6 =	vshll.u32 v53, $0x3;
	v51 =	vsel vm1, $0x0, v48  }
0xa2: {  	v52 =	vld [tilespmem:s30+$0xC100];
	vm15 =	veq.s32 v9, $0x0;
	v5 =	vadd.f32 v51, v5;
	v3 =	vadd.s32 v3, v9  }
0xa3: {  	v10 =	vsel vm15, $0x0, v10;
	vm2 =	vlt.u32 v3, $0x8;
	v3 =	vshll.u32 v3, $0x7  }
0xa4: {  	v54 =	vld [tilespmem:s30+$0xC180];
	v6 =	vand.u32 $0x7C00, v6;
	v5 =	vadd.f32 v10, v5;
	v3 =	vnsel vm2, $0x0, v3  }
0xa5: {  	v56 =	vand.u32 $0x7F, v11;
	v7 =	vsel vm15, $0x0, v50;
	v3 =	vadd.s32 v6, v3  }
0xa6: {  	v55 =	vld [tilespmem:s30+$0xC200];
	v5 =	vadd.f32 v7, v5;
	v3 =	vor.u32 v56, v3  }
0xa7: {  	s20 =	sadd.s32 $0x1, s20;
	v57 =	vsel vm15, $0x0, v52  }
0xa8: {  	s20 =	sand.u32 $0x7, s20;
	v58 =	vld [tilespmem:s30+$0xC280];
	v5 =	vadd.f32 v57, v5  }
0xa9: {  	v4 =	vld.idx.msk [tilespmem:v4+s15+$0x0], $0xffff;
	s20 =	sshll.u32 s20, $0x4;
	v59 =	vsel vm15, $0x0, v54  }
0xaa: {  	v60 =	vld [tilespmem:s30+$0xC300];
	s31 =	sadd.s32 s20, s19;
	v5 =	vadd.f32 v59, v5  }
0xab: {  	s19 =	sor.u32 $0x380, s31;
	v7 =	vsel vm15, $0x0, v55;
	v3 =	vld.idx.msk [tilespmem:v3+s15+$0x0], $0xffff  }
0xac: {  	v61 =	vld [tilespmem:s19+$0xC000];
	v5 =	vadd.f32 v7, v5  }
0xad: {  	v6 =	vsel vm15, $0x0, v58  }
0xae: {  	v4 =	vnsel vm0, $0x0, v4;
	v5 =	vadd.f32 v6, v5  }
0xaf: {  	v2 =	vadd.f32 v4, v2;
	v62 =	vsel vm15, $0x0, v60  }
.Ltmp8:
0xb0: {  	v5 =	vadd.f32 v62, v5;
	v3 =	vnsel vm2, $0x0, v3;
	(pc) =	sbr.rel .LBB2_10-.Ltmp8, $4  }
0xb1: {  	v63 =	vsel vm15, $0x0, v61;
	v2 =	vadd.f32 v3, v2  }
0xb2: {  	v4 =	vadd.f32 v63, v5  }
0xb3: {  	[tilespmem:$0x14080] =	vst v2  }
0xb4: {  	[tilespmem:$0x14000] =	vst v4  }
.LBB2_12:
0xb5: {  	_ =	sfence.sel $0x180000  }
0xb6: {  	[bflag:$0x0] =	sbarrier.arrive $0xFFFF  }
0xb7: {  	p0 =	sne.s32 s1, $0x0;
	_ =	strace $0x90000047  }
0xb8: {  	s0 =	sadd.s32 @!p0 $0x100000, s0;
	[bflag:$0x2] =	sbarrier.arrive $0xFFFF  }
0xb9: {  	[sflag:s0] =	ssyncadd.tile.s32 @!p0 $0x1;
	_ =	shalt  }
.Lfunc_end2:
_tile_overlayer_lowered:
.L_overlay_start_2:
0xba: {  	(tag) =	ssettag $0x2  }
0xbb: {  	s0 =	rddreg [dreg:$0x0];
	s2 =	stileid.u32  }
0xbc: {  	s1 =	rddreg [dreg:$0x1];
	p0 =	sne.s32 s2, $0x0  }
0xbd: {  	s3 =	rddreg [dreg:$0x2];
	[bflag:$0x3] =	sbarrier.arrive $0xFFFF;
	s2 =	simm.s32 @!p0 $0x1C03  }
0xbe: {  	[timem:s3], [sflag:s2] =	dma.local @!p0 [hbm:s0], s1  }
0xbf: {  	s0 =	simm.s32 @!p0 $0x3  }
0xc0: {  	_ =	swait.ge @!p0 [sflag:s0], s1  }
0xc1: {  	s1 =	ssub.s32 @!p0 $0x0, s1;
	[sflag:s0] =	ssyncset.done @!p0 $0x0  }
0xc2: {  	[sflag:s0] =	ssyncadd.s32 @!p0 s1  }
0xc3: {  	[bflag:$0x3] =	sbarrier.arrive $0xFFFF  }
0xc4: {  	_ =	shalt  }

</sc_bundles>
